<compile_context>
chip_gen: v7x
topology: tpu7x:2x2x1
jax: 0.10.2.dev20260603
libtpu: 0.0.44.dev20260713+nightly
codegen_flags: <defaults>
</compile_context>

<pallas_src>
import functools

import jax
import jax.numpy as jnp
from jax import lax
from jax.experimental import pallas as pl
from jax.experimental.pallas import tpu as pltpu
from jax.experimental.pallas import tpu_sc as plsc

VOCAB = 2048
HIDDEN = 2048
BATCH = 4
SEQ = 2048
NTOK = BATCH * SEQ



def _table_body(e_ref, w_ref, b_ref, t_ref):
    t_ref[...] = lax.dot_general(
        e_ref[...].astype(jnp.bfloat16), w_ref[...].astype(jnp.bfloat16),
        dimension_numbers=(((1,), (1,)), ((), ())),
        preferred_element_type=jnp.float32,
    ) + b_ref[...]


def _build_table(emb_weight, lin_weight, lin_bias):
    BV = 512
    grid = (VOCAB // BV,)
    return pl.pallas_call(
        _table_body,
        grid=grid,
        in_specs=[
            pl.BlockSpec((BV, VOCAB), lambda i: (i, 0)),
            pl.BlockSpec((HIDDEN, VOCAB), lambda i: (0, 0)),
            pl.BlockSpec((1, HIDDEN), lambda i: (0, 0)),
        ],
        out_specs=pl.BlockSpec((BV, HIDDEN), lambda i: (i, 0)),
        out_shape=jax.ShapeDtypeStruct((VOCAB, HIDDEN), jnp.float32),
    )(emb_weight, lin_weight, lin_bias.reshape(1, HIDDEN))



def _make_gather():
    info = plsc.get_sparse_core_info()
    nc, ns = info.num_cores, info.num_subcores
    nw = nc * ns
    b_per_w = NTOK // nw
    chunk = 16
    nbuf = 3
    nchunk = b_per_w // chunk
    mesh = plsc.VectorSubcoreMesh(core_axis_name="c", subcore_axis_name="s")
    w_per_row = SEQ // b_per_w

    @functools.partial(
        pl.kernel, mesh=mesh,
        out_type=jax.ShapeDtypeStruct((NTOK, HIDDEN), jnp.float32),
        scratch_types=[
            pltpu.VMEM((b_per_w,), jnp.int32),
            [pltpu.VMEM((chunk, HIDDEN), jnp.float32) for _ in range(nbuf)],
            [pltpu.SemaphoreType.DMA for _ in range(nbuf)],
        ],
    )
    def gather(table_hbm, idx_hbm, out_hbm, idx_v, bufs, sems):
        wid = lax.axis_index("s") * nc + lax.axis_index("c")
        base = wid * b_per_w
        pltpu.sync_copy(
            idx_hbm.at[wid // w_per_row,
                       pl.ds((wid % w_per_row) * b_per_w, b_per_w)],
            idx_v)
        g = [None] * nbuf
        for j in range(nbuf - 1):
            g[j] = pltpu.async_copy(
                table_hbm.at[idx_v.at[pl.ds(j * chunk, chunk)]],
                bufs[j], sems[j])
        for c in range(nchunk):
            cur = c % nbuf
            if c + nbuf - 1 < nchunk:
                nxt = (c + nbuf - 1) % nbuf
                g[nxt] = pltpu.async_copy(
                    table_hbm.at[idx_v.at[pl.ds((c + nbuf - 1) * chunk, chunk)]],
                    bufs[nxt], sems[nxt])
            g[cur].wait()
            pltpu.sync_copy(bufs[cur], out_hbm.at[pl.ds(base + c * chunk, chunk)])

    return gather


_gather = _make_gather()


def kernel(x, emb_weight, lin_weight, lin_bias):
    table = _build_table(emb_weight, lin_weight, lin_bias)
    out = _gather(table, x.astype(jnp.int32))
    return out.reshape(BATCH, SEQ, HIDDEN)

# --- scband reference (transcript-rebuilt; emitter-appended) ---
"""Pipeline reference for scband-dummy-model-42915313222068 (READ-ONLY COPY).

The authoritative reference and input builder live on the scoring server;
editing this copy changes nothing except your own understanding.
"""

import jax, jax.numpy as jnp
import numpy as np

VOCAB = 2048      # input_size
HIDDEN = 2048     # hidden_size
BATCH = 4
SEQ = 2048


def setup_inputs(seed: int = 0) -> dict:
    key = jax.random.key(seed)
    k1, k2, k3 = jax.random.split(key, 3)
    x = jax.random.randint(k1, (BATCH, SEQ), 0, VOCAB, dtype=jnp.int64 if jax.config.jax_enable_x64 else jnp.int32)
    # nn.Embedding weight: N(0,1), shape [num_embeddings, embedding_dim]
    emb_weight = jax.random.normal(k2, (VOCAB, HIDDEN), dtype=jnp.float32)
    # nn.Linear(input_size, hidden_size): weight [out, in] = [HIDDEN, VOCAB]
    bound = 1.0 / np.sqrt(VOCAB)
    lin_weight = jax.random.uniform(k3, (HIDDEN, VOCAB), minval=-bound, maxval=bound, dtype=jnp.float32)
    lin_bias = jax.random.uniform(jax.random.fold_in(k3, 1), (HIDDEN,), minval=-bound, maxval=bound, dtype=jnp.float32)
    return {"x": x, "emb_weight": emb_weight, "lin_weight": lin_weight, "lin_bias": lin_bias}


def reference(x, emb_weight, lin_weight, lin_bias):
    # y = self.encoder(x)  -> embedding gather
    y = jnp.take(emb_weight, x, axis=0)            # [B, S, HIDDEN] (HIDDEN == VOCAB)
    # z = self.decoder(y)  -> Linear: y @ W.T + b
    z = jnp.einsum('bsh,oh->bso', y, lin_weight) + lin_bias  # [B, S, HIDDEN]
    return z

if __name__ == "__main__":
    import jax
    _d = setup_inputs()
    print(jax.jit(kernel)(*tuple(_d.values())))

</pallas_src>

<mosaic_0001>
#map = affine_map<(d0, d1) -> (0, 0)>
module attributes {stable_mosaic.version = 14 : i64} {
  func.func @gather(%arg0: i32, %arg1: i32, %arg2: memref<2048x2048xf32, #tpu.memory_space<hbm>>, %arg3: memref<4x2048xi32, #tpu.memory_space<hbm>>, %arg4: memref<8192x2048xf32, #tpu.memory_space<hbm>>, %arg5: memref<256xi32, #tpu.memory_space<vmem>>, %arg6: memref<16x2048xf32, #tpu.memory_space<vmem>>, %arg7: memref<16x2048xf32, #tpu.memory_space<vmem>>, %arg8: memref<16x2048xf32, #tpu.memory_space<vmem>>, %arg9: memref<!tpu.dma_semaphore, #tpu.memory_space<semaphore_mem>>, %arg10: memref<!tpu.dma_semaphore, #tpu.memory_space<semaphore_mem>>, %arg11: memref<!tpu.dma_semaphore, #tpu.memory_space<semaphore_mem>>) attributes {dimension_semantics = [#tpu.dimension_semantics<core_parallel>, #tpu.dimension_semantics<subcore_parallel>], iteration_bounds = array<i64: 2, 16>, scalar_prefetch = 0 : i64, scratch_operands = 7 : i64, tpu.core_type = #tpu.core_type<sc_vector_subcore>, window_params = [{transform_indices = #map}, {transform_indices = #map}, {transform_indices = #map}]} {
    %mul3A = arith.constant 2 : i32
    %mul3A_0 = arith.muli %arg1, %mul3A : i32
    %add3A = arith.addi %mul3A_0, %arg0 : i32
    %mul3A_1 = arith.constant 256 : i32
    %mul3A_2 = arith.muli %add3A, %mul3A_1 : i32
    %jit3A = arith.constant 8 : i32
    %div3A = arith.divsi %add3A, %jit3A : i32
    %sign3A = arith.constant 0 : i32
    %sign3A_3 = arith.cmpi sgt, %add3A, %sign3A : i32
    %sign3A_4 = arith.extui %sign3A_3 : i1 to i32
    %sign3A_5 = arith.constant 0 : i32
    %sign3A_6 = arith.cmpi slt, %add3A, %sign3A_5 : i32
    %sign3A_7 = arith.extui %sign3A_6 : i1 to i32
    %sign3A_8 = arith.subi %sign3A_4, %sign3A_7 : i32
    %sign3A_9 = arith.constant 0 : i32
    %sign3A_10 = arith.cmpi sgt, %jit3A, %sign3A_9 : i32
    %sign3A_11 = arith.extui %sign3A_10 : i1 to i32
    %sign3A_12 = arith.constant 0 : i32
    %sign3A_13 = arith.cmpi slt, %jit3A, %sign3A_12 : i32
    %sign3A_14 = arith.extui %sign3A_13 : i1 to i32
    %sign3A_15 = arith.subi %sign3A_11, %sign3A_14 : i32
    %ne3A = arith.cmpi ne, %sign3A_8, %sign3A_15 : i32
    %rem3A = arith.remsi %add3A, %jit3A : i32
    %ne3A_16 = arith.constant 0 : i32
    %ne3A_17 = arith.cmpi ne, %rem3A, %ne3A_16 : i32
    %and3A = arith.andi %ne3A, %ne3A_17 : i1
    %sub3A = arith.constant 1 : i32
    %sub3A_18 = arith.subi %div3A, %sub3A : i32
    %select_n3A = arith.select %and3A, %sub3A_18, %div3A : i32
    %jit3A_19 = arith.constant 8 : i32
    %eq3A = arith.constant 0 : i32
    %eq3A_20 = arith.cmpi eq, %jit3A_19, %eq3A : i32
    %jit3A_21 = arith.constant 1 : i32
    %select_n3A_22 = arith.select %eq3A_20, %jit3A_21, %jit3A_19 : i32
    %rem3A_23 = arith.remsi %add3A, %select_n3A_22 : i32
    %ne3A_24 = arith.constant 0 : i32
    %ne3A_25 = arith.cmpi ne, %rem3A_23, %ne3A_24 : i32
    %lt3A = arith.constant 0 : i32
    %lt3A_26 = arith.cmpi slt, %rem3A_23, %lt3A : i32
    %lt3A_27 = arith.constant 0 : i32
    %lt3A_28 = arith.cmpi slt, %select_n3A_22, %lt3A_27 : i32
    %ne3A_29 = arith.xori %lt3A_26, %lt3A_28 : i1
    %and3A_30 = arith.andi %ne3A_29, %ne3A_25 : i1
    %add3A_31 = arith.addi %rem3A_23, %select_n3A_22 : i32
    %select_n3A_32 = arith.select %and3A_30, %add3A_31, %rem3A_23 : i32
    %mul3A_33 = arith.constant 256 : i32
    %mul3A_34 = arith.muli %select_n3A_32, %mul3A_33 : i32
    "tpu.region"() ({
      %run_scoped3A = tpu.sem_alloc : memref<!tpu.dma_semaphore, #tpu.memory_space<semaphore_mem>>
      %dma_start3A_225 = tpu.memref_slice %arg3[%select_n3A, %mul3A_34] : memref<4x2048xi32, #tpu.memory_space<hbm>> -> memref<1x256xi32, #tpu.memory_space<hbm>>
      %dma_start3A_226 = tpu.memref_squeeze %dma_start3A_225 : memref<1x256xi32, #tpu.memory_space<hbm>> -> memref<256xi32, #tpu.memory_space<hbm>>
      %dma_start3A_227 = tpu.memref_slice %arg3[%select_n3A, %mul3A_34] : memref<4x2048xi32, #tpu.memory_space<hbm>> -> memref<1x256xi32, #tpu.memory_space<hbm>>
      %dma_start3A_228 = tpu.memref_squeeze %dma_start3A_227 : memref<1x256xi32, #tpu.memory_space<hbm>> -> memref<256xi32, #tpu.memory_space<hbm>>
      tpu.enqueue_dma source(%dma_start3A_228 : memref<256xi32, #tpu.memory_space<hbm>>) target(%arg5 : memref<256xi32, #tpu.memory_space<vmem>>) target_semaphore(%run_scoped3A : memref<!tpu.dma_semaphore, #tpu.memory_space<semaphore_mem>>)
      %dma_wait3A_229 = tpu.memref_slice %arg3[%select_n3A, %mul3A_34] : memref<4x2048xi32, #tpu.memory_space<hbm>> -> memref<1x256xi32, #tpu.memory_space<hbm>>
      %dma_wait3A_230 = tpu.memref_squeeze %dma_wait3A_229 : memref<1x256xi32, #tpu.memory_space<hbm>> -> memref<256xi32, #tpu.memory_space<hbm>>
      %dma_wait3A_231 = tpu.memref_slice %arg3[%select_n3A, %mul3A_34] : memref<4x2048xi32, #tpu.memory_space<hbm>> -> memref<1x256xi32, #tpu.memory_space<hbm>>
      %dma_wait3A_232 = tpu.memref_squeeze %dma_wait3A_231 : memref<1x256xi32, #tpu.memory_space<hbm>> -> memref<256xi32, #tpu.memory_space<hbm>>
      tpu.wait_dma2 semaphore(%run_scoped3A : memref<!tpu.dma_semaphore, #tpu.memory_space<semaphore_mem>>) src(%dma_wait3A_232 : memref<256xi32, #tpu.memory_space<hbm>>) dst(%arg5 : memref<256xi32, #tpu.memory_space<vmem>>)
      tpu.yield
    }) : () -> ()
    %dma_start3A = arith.constant 0 : i32
    %dma_start3A_35 = tpu.memref_slice %arg5[%dma_start3A] : memref<256xi32, #tpu.memory_space<vmem>> -> memref<16xi32, #tpu.memory_space<vmem>>
    %dma_start3A_36 = arith.constant 0 : i32
    %dma_start3A_37 = arith.constant 0 : i32
    %dma_start3A_38 = tpu.memref_slice %arg2[%dma_start3A_36, %dma_start3A_37] : memref<2048x2048xf32, #tpu.memory_space<hbm>> -> memref<2048x2048xf32, #tpu.memory_space<hbm>>
    tpu.enqueue_indirect_dma source(%dma_start3A_38 : memref<2048x2048xf32, #tpu.memory_space<hbm>>) target(%arg6 : memref<16x2048xf32, #tpu.memory_space<vmem>>) offsets(%dma_start3A_35 : memref<16xi32, #tpu.memory_space<vmem>>) semaphore(%arg9 : memref<!tpu.dma_semaphore, #tpu.memory_space<semaphore_mem>>)
    %dma_start3A_39 = arith.constant 16 : i32
    %dma_start3A_40 = tpu.memref_slice %arg5[%dma_start3A_39] : memref<256xi32, #tpu.memory_space<vmem>> -> memref<16xi32, #tpu.memory_space<vmem>>
    %dma_start3A_41 = arith.constant 0 : i32
    %dma_start3A_42 = arith.constant 0 : i32
    %dma_start3A_43 = tpu.memref_slice %arg2[%dma_start3A_41, %dma_start3A_42] : memref<2048x2048xf32, #tpu.memory_space<hbm>> -> memref<2048x2048xf32, #tpu.memory_space<hbm>>
    tpu.enqueue_indirect_dma source(%dma_start3A_43 : memref<2048x2048xf32, #tpu.memory_space<hbm>>) target(%arg7 : memref<16x2048xf32, #tpu.memory_space<vmem>>) offsets(%dma_start3A_40 : memref<16xi32, #tpu.memory_space<vmem>>) semaphore(%arg10 : memref<!tpu.dma_semaphore, #tpu.memory_space<semaphore_mem>>)
    %dma_start3A_44 = arith.constant 32 : i32
    %dma_start3A_45 = tpu.memref_slice %arg5[%dma_start3A_44] : memref<256xi32, #tpu.memory_space<vmem>> -> memref<16xi32, #tpu.memory_space<vmem>>
    %dma_start3A_46 = arith.constant 0 : i32
    %dma_start3A_47 = arith.constant 0 : i32
    %dma_start3A_48 = tpu.memref_slice %arg2[%dma_start3A_46, %dma_start3A_47] : memref<2048x2048xf32, #tpu.memory_space<hbm>> -> memref<2048x2048xf32, #tpu.memory_space<hbm>>
    tpu.enqueue_indirect_dma source(%dma_start3A_48 : memref<2048x2048xf32, #tpu.memory_space<hbm>>) target(%arg8 : memref<16x2048xf32, #tpu.memory_space<vmem>>) offsets(%dma_start3A_45 : memref<16xi32, #tpu.memory_space<vmem>>) semaphore(%arg11 : memref<!tpu.dma_semaphore, #tpu.memory_space<semaphore_mem>>)
    %dma_wait3A = arith.constant 0 : i32
    %dma_wait3A_49 = tpu.memref_slice %arg5[%dma_wait3A] : memref<256xi32, #tpu.memory_space<vmem>> -> memref<16xi32, #tpu.memory_space<vmem>>
    %dma_wait3A_50 = arith.constant 0 : i32
    %dma_wait3A_51 = arith.constant 0 : i32
    %dma_wait3A_52 = tpu.memref_slice %arg2[%dma_wait3A_50, %dma_wait3A_51] : memref<2048x2048xf32, #tpu.memory_space<hbm>> -> memref<2048x2048xf32, #tpu.memory_space<hbm>>
    tpu.wait_indirect_dma semaphore(%arg9 : memref<!tpu.dma_semaphore, #tpu.memory_space<semaphore_mem>>) src(%dma_wait3A_52 : memref<2048x2048xf32, #tpu.memory_space<hbm>>) dst(%arg6 : memref<16x2048xf32, #tpu.memory_space<vmem>>)
    %add3A_53 = arith.constant 0 : i32
    %add3A_54 = arith.addi %mul3A_2, %add3A_53 : i32
    "tpu.region"() ({
      %run_scoped3A = tpu.sem_alloc : memref<!tpu.dma_semaphore, #tpu.memory_space<semaphore_mem>>
      %dma_start3A_225 = arith.constant 0 : i32
      %dma_start3A_226 = tpu.memref_slice %arg4[%add3A_54, %dma_start3A_225] : memref<8192x2048xf32, #tpu.memory_space<hbm>> -> memref<16x2048xf32, #tpu.memory_space<hbm>>
      %dma_start3A_227 = arith.constant 0 : i32
      %dma_start3A_228 = tpu.memref_slice %arg4[%add3A_54, %dma_start3A_227] : memref<8192x2048xf32, #tpu.memory_space<hbm>> -> memref<16x2048xf32, #tpu.memory_space<hbm>>
      tpu.enqueue_dma source(%arg6 : memref<16x2048xf32, #tpu.memory_space<vmem>>) target(%dma_start3A_228 : memref<16x2048xf32, #tpu.memory_space<hbm>>) target_semaphore(%run_scoped3A : memref<!tpu.dma_semaphore, #tpu.memory_space<semaphore_mem>>)
      %dma_wait3A_229 = arith.constant 0 : i32
      %dma_wait3A_230 = tpu.memref_slice %arg4[%add3A_54, %dma_wait3A_229] : memref<8192x2048xf32, #tpu.memory_space<hbm>> -> memref<16x2048xf32, #tpu.memory_space<hbm>>
      %dma_wait3A_231 = arith.constant 0 : i32
      %dma_wait3A_232 = tpu.memref_slice %arg4[%add3A_54, %dma_wait3A_231] : memref<8192x2048xf32, #tpu.memory_space<hbm>> -> memref<16x2048xf32, #tpu.memory_space<hbm>>
      tpu.wait_dma2 semaphore(%run_scoped3A : memref<!tpu.dma_semaphore, #tpu.memory_space<semaphore_mem>>) src(%arg6 : memref<16x2048xf32, #tpu.memory_space<vmem>>) dst(%dma_wait3A_232 : memref<16x2048xf32, #tpu.memory_space<hbm>>)
      tpu.yield
    }) : () -> ()
    %dma_start3A_55 = arith.constant 48 : i32
    %dma_start3A_56 = tpu.memref_slice %arg5[%dma_start3A_55] : memref<256xi32, #tpu.memory_space<vmem>> -> memref<16xi32, #tpu.memory_space<vmem>>
    %dma_start3A_57 = arith.constant 0 : i32
    %dma_start3A_58 = arith.constant 0 : i32
    %dma_start3A_59 = tpu.memref_slice %arg2[%dma_start3A_57, %dma_start3A_58] : memref<2048x2048xf32, #tpu.memory_space<hbm>> -> memref<2048x2048xf32, #tpu.memory_space<hbm>>
    tpu.enqueue_indirect_dma source(%dma_start3A_59 : memref<2048x2048xf32, #tpu.memory_space<hbm>>) target(%arg6 : memref<16x2048xf32, #tpu.memory_space<vmem>>) offsets(%dma_start3A_56 : memref<16xi32, #tpu.memory_space<vmem>>) semaphore(%arg9 : memref<!tpu.dma_semaphore, #tpu.memory_space<semaphore_mem>>)
    %dma_wait3A_60 = arith.constant 16 : i32
    %dma_wait3A_61 = tpu.memref_slice %arg5[%dma_wait3A_60] : memref<256xi32, #tpu.memory_space<vmem>> -> memref<16xi32, #tpu.memory_space<vmem>>
    %dma_wait3A_62 = arith.constant 0 : i32
    %dma_wait3A_63 = arith.constant 0 : i32
    %dma_wait3A_64 = tpu.memref_slice %arg2[%dma_wait3A_62, %dma_wait3A_63] : memref<2048x2048xf32, #tpu.memory_space<hbm>> -> memref<2048x2048xf32, #tpu.memory_space<hbm>>
    tpu.wait_indirect_dma semaphore(%arg10 : memref<!tpu.dma_semaphore, #tpu.memory_space<semaphore_mem>>) src(%dma_wait3A_64 : memref<2048x2048xf32, #tpu.memory_space<hbm>>) dst(%arg7 : memref<16x2048xf32, #tpu.memory_space<vmem>>)
    %add3A_65 = arith.constant 16 : i32
    %add3A_66 = arith.addi %mul3A_2, %add3A_65 : i32
    "tpu.region"() ({
      %run_scoped3A = tpu.sem_alloc : memref<!tpu.dma_semaphore, #tpu.memory_space<semaphore_mem>>
      %dma_start3A_225 = arith.constant 0 : i32
      %dma_start3A_226 = tpu.memref_slice %arg4[%add3A_66, %dma_start3A_225] : memref<8192x2048xf32, #tpu.memory_space<hbm>> -> memref<16x2048xf32, #tpu.memory_space<hbm>>
      %dma_start3A_227 = arith.constant 0 : i32
      %dma_start3A_228 = tpu.memref_slice %arg4[%add3A_66, %dma_start3A_227] : memref<8192x2048xf32, #tpu.memory_space<hbm>> -> memref<16x2048xf32, #tpu.memory_space<hbm>>
      tpu.enqueue_dma source(%arg7 : memref<16x2048xf32, #tpu.memory_space<vmem>>) target(%dma_start3A_228 : memref<16x2048xf32, #tpu.memory_space<hbm>>) target_semaphore(%run_scoped3A : memref<!tpu.dma_semaphore, #tpu.memory_space<semaphore_mem>>)
      %dma_wait3A_229 = arith.constant 0 : i32
      %dma_wait3A_230 = tpu.memref_slice %arg4[%add3A_66, %dma_wait3A_229] : memref<8192x2048xf32, #tpu.memory_space<hbm>> -> memref<16x2048xf32, #tpu.memory_space<hbm>>
      %dma_wait3A_231 = arith.constant 0 : i32
      %dma_wait3A_232 = tpu.memref_slice %arg4[%add3A_66, %dma_wait3A_231] : memref<8192x2048xf32, #tpu.memory_space<hbm>> -> memref<16x2048xf32, #tpu.memory_space<hbm>>
      tpu.wait_dma2 semaphore(%run_scoped3A : memref<!tpu.dma_semaphore, #tpu.memory_space<semaphore_mem>>) src(%arg7 : memref<16x2048xf32, #tpu.memory_space<vmem>>) dst(%dma_wait3A_232 : memref<16x2048xf32, #tpu.memory_space<hbm>>)
      tpu.yield
    }) : () -> ()
    %dma_start3A_67 = arith.constant 64 : i32
    %dma_start3A_68 = tpu.memref_slice %arg5[%dma_start3A_67] : memref<256xi32, #tpu.memory_space<vmem>> -> memref<16xi32, #tpu.memory_space<vmem>>
    %dma_start3A_69 = arith.constant 0 : i32
    %dma_start3A_70 = arith.constant 0 : i32
    %dma_start3A_71 = tpu.memref_slice %arg2[%dma_start3A_69, %dma_start3A_70] : memref<2048x2048xf32, #tpu.memory_space<hbm>> -> memref<2048x2048xf32, #tpu.memory_space<hbm>>
    tpu.enqueue_indirect_dma source(%dma_start3A_71 : memref<2048x2048xf32, #tpu.memory_space<hbm>>) target(%arg7 : memref<16x2048xf32, #tpu.memory_space<vmem>>) offsets(%dma_start3A_68 : memref<16xi32, #tpu.memory_space<vmem>>) semaphore(%arg10 : memref<!tpu.dma_semaphore, #tpu.memory_space<semaphore_mem>>)
    %dma_wait3A_72 = arith.constant 32 : i32
    %dma_wait3A_73 = tpu.memref_slice %arg5[%dma_wait3A_72] : memref<256xi32, #tpu.memory_space<vmem>> -> memref<16xi32, #tpu.memory_space<vmem>>
    %dma_wait3A_74 = arith.constant 0 : i32
    %dma_wait3A_75 = arith.constant 0 : i32
    %dma_wait3A_76 = tpu.memref_slice %arg2[%dma_wait3A_74, %dma_wait3A_75] : memref<2048x2048xf32, #tpu.memory_space<hbm>> -> memref<2048x2048xf32, #tpu.memory_space<hbm>>
    tpu.wait_indirect_dma semaphore(%arg11 : memref<!tpu.dma_semaphore, #tpu.memory_space<semaphore_mem>>) src(%dma_wait3A_76 : memref<2048x2048xf32, #tpu.memory_space<hbm>>) dst(%arg8 : memref<16x2048xf32, #tpu.memory_space<vmem>>)
    %add3A_77 = arith.constant 32 : i32
    %add3A_78 = arith.addi %mul3A_2, %add3A_77 : i32
    "tpu.region"() ({
      %run_scoped3A = tpu.sem_alloc : memref<!tpu.dma_semaphore, #tpu.memory_space<semaphore_mem>>
      %dma_start3A_225 = arith.constant 0 : i32
      %dma_start3A_226 = tpu.memref_slice %arg4[%add3A_78, %dma_start3A_225] : memref<8192x2048xf32, #tpu.memory_space<hbm>> -> memref<16x2048xf32, #tpu.memory_space<hbm>>
      %dma_start3A_227 = arith.constant 0 : i32
      %dma_start3A_228 = tpu.memref_slice %arg4[%add3A_78, %dma_start3A_227] : memref<8192x2048xf32, #tpu.memory_space<hbm>> -> memref<16x2048xf32, #tpu.memory_space<hbm>>
      tpu.enqueue_dma source(%arg8 : memref<16x2048xf32, #tpu.memory_space<vmem>>) target(%dma_start3A_228 : memref<16x2048xf32, #tpu.memory_space<hbm>>) target_semaphore(%run_scoped3A : memref<!tpu.dma_semaphore, #tpu.memory_space<semaphore_mem>>)
      %dma_wait3A_229 = arith.constant 0 : i32
      %dma_wait3A_230 = tpu.memref_slice %arg4[%add3A_78, %dma_wait3A_229] : memref<8192x2048xf32, #tpu.memory_space<hbm>> -> memref<16x2048xf32, #tpu.memory_space<hbm>>
      %dma_wait3A_231 = arith.constant 0 : i32
      %dma_wait3A_232 = tpu.memref_slice %arg4[%add3A_78, %dma_wait3A_231] : memref<8192x2048xf32, #tpu.memory_space<hbm>> -> memref<16x2048xf32, #tpu.memory_space<hbm>>
      tpu.wait_dma2 semaphore(%run_scoped3A : memref<!tpu.dma_semaphore, #tpu.memory_space<semaphore_mem>>) src(%arg8 : memref<16x2048xf32, #tpu.memory_space<vmem>>) dst(%dma_wait3A_232 : memref<16x2048xf32, #tpu.memory_space<hbm>>)
      tpu.yield
    }) : () -> ()
    %dma_start3A_79 = arith.constant 80 : i32
    %dma_start3A_80 = tpu.memref_slice %arg5[%dma_start3A_79] : memref<256xi32, #tpu.memory_space<vmem>> -> memref<16xi32, #tpu.memory_space<vmem>>
    %dma_start3A_81 = arith.constant 0 : i32
    %dma_start3A_82 = arith.constant 0 : i32
    %dma_start3A_83 = tpu.memref_slice %arg2[%dma_start3A_81, %dma_start3A_82] : memref<2048x2048xf32, #tpu.memory_space<hbm>> -> memref<2048x2048xf32, #tpu.memory_space<hbm>>
    tpu.enqueue_indirect_dma source(%dma_start3A_83 : memref<2048x2048xf32, #tpu.memory_space<hbm>>) target(%arg8 : memref<16x2048xf32, #tpu.memory_space<vmem>>) offsets(%dma_start3A_80 : memref<16xi32, #tpu.memory_space<vmem>>) semaphore(%arg11 : memref<!tpu.dma_semaphore, #tpu.memory_space<semaphore_mem>>)
    %dma_wait3A_84 = arith.constant 48 : i32
    %dma_wait3A_85 = tpu.memref_slice %arg5[%dma_wait3A_84] : memref<256xi32, #tpu.memory_space<vmem>> -> memref<16xi32, #tpu.memory_space<vmem>>
    %dma_wait3A_86 = arith.constant 0 : i32
    %dma_wait3A_87 = arith.constant 0 : i32
    %dma_wait3A_88 = tpu.memref_slice %arg2[%dma_wait3A_86, %dma_wait3A_87] : memref<2048x2048xf32, #tpu.memory_space<hbm>> -> memref<2048x2048xf32, #tpu.memory_space<hbm>>
    tpu.wait_indirect_dma semaphore(%arg9 : memref<!tpu.dma_semaphore, #tpu.memory_space<semaphore_mem>>) src(%dma_wait3A_88 : memref<2048x2048xf32, #tpu.memory_space<hbm>>) dst(%arg6 : memref<16x2048xf32, #tpu.memory_space<vmem>>)
    %add3A_89 = arith.constant 48 : i32
    %add3A_90 = arith.addi %mul3A_2, %add3A_89 : i32
    "tpu.region"() ({
      %run_scoped3A = tpu.sem_alloc : memref<!tpu.dma_semaphore, #tpu.memory_space<semaphore_mem>>
      %dma_start3A_225 = arith.constant 0 : i32
      %dma_start3A_226 = tpu.memref_slice %arg4[%add3A_90, %dma_start3A_225] : memref<8192x2048xf32, #tpu.memory_space<hbm>> -> memref<16x2048xf32, #tpu.memory_space<hbm>>
      %dma_start3A_227 = arith.constant 0 : i32
      %dma_start3A_228 = tpu.memref_slice %arg4[%add3A_90, %dma_start3A_227] : memref<8192x2048xf32, #tpu.memory_space<hbm>> -> memref<16x2048xf32, #tpu.memory_space<hbm>>
      tpu.enqueue_dma source(%arg6 : memref<16x2048xf32, #tpu.memory_space<vmem>>) target(%dma_start3A_228 : memref<16x2048xf32, #tpu.memory_space<hbm>>) target_semaphore(%run_scoped3A : memref<!tpu.dma_semaphore, #tpu.memory_space<semaphore_mem>>)
      %dma_wait3A_229 = arith.constant 0 : i32
      %dma_wait3A_230 = tpu.memref_slice %arg4[%add3A_90, %dma_wait3A_229] : memref<8192x2048xf32, #tpu.memory_space<hbm>> -> memref<16x2048xf32, #tpu.memory_space<hbm>>
      %dma_wait3A_231 = arith.constant 0 : i32
      %dma_wait3A_232 = tpu.memref_slice %arg4[%add3A_90, %dma_wait3A_231] : memref<8192x2048xf32, #tpu.memory_space<hbm>> -> memref<16x2048xf32, #tpu.memory_space<hbm>>
      tpu.wait_dma2 semaphore(%run_scoped3A : memref<!tpu.dma_semaphore, #tpu.memory_space<semaphore_mem>>) src(%arg6 : memref<16x2048xf32, #tpu.memory_space<vmem>>) dst(%dma_wait3A_232 : memref<16x2048xf32, #tpu.memory_space<hbm>>)
      tpu.yield
    }) : () -> ()
    %dma_start3A_91 = arith.constant 96 : i32
    %dma_start3A_92 = tpu.memref_slice %arg5[%dma_start3A_91] : memref<256xi32, #tpu.memory_space<vmem>> -> memref<16xi32, #tpu.memory_space<vmem>>
    %dma_start3A_93 = arith.constant 0 : i32
    %dma_start3A_94 = arith.constant 0 : i32
    %dma_start3A_95 = tpu.memref_slice %arg2[%dma_start3A_93, %dma_start3A_94] : memref<2048x2048xf32, #tpu.memory_space<hbm>> -> memref<2048x2048xf32, #tpu.memory_space<hbm>>
    tpu.enqueue_indirect_dma source(%dma_start3A_95 : memref<2048x2048xf32, #tpu.memory_space<hbm>>) target(%arg6 : memref<16x2048xf32, #tpu.memory_space<vmem>>) offsets(%dma_start3A_92 : memref<16xi32, #tpu.memory_space<vmem>>) semaphore(%arg9 : memref<!tpu.dma_semaphore, #tpu.memory_space<semaphore_mem>>)
    %dma_wait3A_96 = arith.constant 64 : i32
    %dma_wait3A_97 = tpu.memref_slice %arg5[%dma_wait3A_96] : memref<256xi32, #tpu.memory_space<vmem>> -> memref<16xi32, #tpu.memory_space<vmem>>
    %dma_wait3A_98 = arith.constant 0 : i32
    %dma_wait3A_99 = arith.constant 0 : i32
    %dma_wait3A_100 = tpu.memref_slice %arg2[%dma_wait3A_98, %dma_wait3A_99] : memref<2048x2048xf32, #tpu.memory_space<hbm>> -> memref<2048x2048xf32, #tpu.memory_space<hbm>>
    tpu.wait_indirect_dma semaphore(%arg10 : memref<!tpu.dma_semaphore, #tpu.memory_space<semaphore_mem>>) src(%dma_wait3A_100 : memref<2048x2048xf32, #tpu.memory_space<hbm>>) dst(%arg7 : memref<16x2048xf32, #tpu.memory_space<vmem>>)
    %add3A_101 = arith.constant 64 : i32
    %add3A_102 = arith.addi %mul3A_2, %add3A_101 : i32
    "tpu.region"() ({
      %run_scoped3A = tpu.sem_alloc : memref<!tpu.dma_semaphore, #tpu.memory_space<semaphore_mem>>
      %dma_start3A_225 = arith.constant 0 : i32
      %dma_start3A_226 = tpu.memref_slice %arg4[%add3A_102, %dma_start3A_225] : memref<8192x2048xf32, #tpu.memory_space<hbm>> -> memref<16x2048xf32, #tpu.memory_space<hbm>>
      %dma_start3A_227 = arith.constant 0 : i32
      %dma_start3A_228 = tpu.memref_slice %arg4[%add3A_102, %dma_start3A_227] : memref<8192x2048xf32, #tpu.memory_space<hbm>> -> memref<16x2048xf32, #tpu.memory_space<hbm>>
      tpu.enqueue_dma source(%arg7 : memref<16x2048xf32, #tpu.memory_space<vmem>>) target(%dma_start3A_228 : memref<16x2048xf32, #tpu.memory_space<hbm>>) target_semaphore(%run_scoped3A : memref<!tpu.dma_semaphore, #tpu.memory_space<semaphore_mem>>)
      %dma_wait3A_229 = arith.constant 0 : i32
      %dma_wait3A_230 = tpu.memref_slice %arg4[%add3A_102, %dma_wait3A_229] : memref<8192x2048xf32, #tpu.memory_space<hbm>> -> memref<16x2048xf32, #tpu.memory_space<hbm>>
      %dma_wait3A_231 = arith.constant 0 : i32
      %dma_wait3A_232 = tpu.memref_slice %arg4[%add3A_102, %dma_wait3A_231] : memref<8192x2048xf32, #tpu.memory_space<hbm>> -> memref<16x2048xf32, #tpu.memory_space<hbm>>
      tpu.wait_dma2 semaphore(%run_scoped3A : memref<!tpu.dma_semaphore, #tpu.memory_space<semaphore_mem>>) src(%arg7 : memref<16x2048xf32, #tpu.memory_space<vmem>>) dst(%dma_wait3A_232 : memref<16x2048xf32, #tpu.memory_space<hbm>>)
      tpu.yield
    }) : () -> ()
    %dma_start3A_103 = arith.constant 112 : i32
    %dma_start3A_104 = tpu.memref_slice %arg5[%dma_start3A_103] : memref<256xi32, #tpu.memory_space<vmem>> -> memref<16xi32, #tpu.memory_space<vmem>>
    %dma_start3A_105 = arith.constant 0 : i32
    %dma_start3A_106 = arith.constant 0 : i32
    %dma_start3A_107 = tpu.memref_slice %arg2[%dma_start3A_105, %dma_start3A_106] : memref<2048x2048xf32, #tpu.memory_space<hbm>> -> memref<2048x2048xf32, #tpu.memory_space<hbm>>
    tpu.enqueue_indirect_dma source(%dma_start3A_107 : memref<2048x2048xf32, #tpu.memory_space<hbm>>) target(%arg7 : memref<16x2048xf32, #tpu.memory_space<vmem>>) offsets(%dma_start3A_104 : memref<16xi32, #tpu.memory_space<vmem>>) semaphore(%arg10 : memref<!tpu.dma_semaphore, #tpu.memory_space<semaphore_mem>>)
    %dma_wait3A_108 = arith.constant 80 : i32
    %dma_wait3A_109 = tpu.memref_slice %arg5[%dma_wait3A_108] : memref<256xi32, #tpu.memory_space<vmem>> -> memref<16xi32, #tpu.memory_space<vmem>>
    %dma_wait3A_110 = arith.constant 0 : i32
    %dma_wait3A_111 = arith.constant 0 : i32
    %dma_wait3A_112 = tpu.memref_slice %arg2[%dma_wait3A_110, %dma_wait3A_111] : memref<2048x2048xf32, #tpu.memory_space<hbm>> -> memref<2048x2048xf32, #tpu.memory_space<hbm>>
    tpu.wait_indirect_dma semaphore(%arg11 : memref<!tpu.dma_semaphore, #tpu.memory_space<semaphore_mem>>) src(%dma_wait3A_112 : memref<2048x2048xf32, #tpu.memory_space<hbm>>) dst(%arg8 : memref<16x2048xf32, #tpu.memory_space<vmem>>)
    %add3A_113 = arith.constant 80 : i32
    %add3A_114 = arith.addi %mul3A_2, %add3A_113 : i32
    "tpu.region"() ({
      %run_scoped3A = tpu.sem_alloc : memref<!tpu.dma_semaphore, #tpu.memory_space<semaphore_mem>>
      %dma_start3A_225 = arith.constant 0 : i32
      %dma_start3A_226 = tpu.memref_slice %arg4[%add3A_114, %dma_start3A_225] : memref<8192x2048xf32, #tpu.memory_space<hbm>> -> memref<16x2048xf32, #tpu.memory_space<hbm>>
      %dma_start3A_227 = arith.constant 0 : i32
      %dma_start3A_228 = tpu.memref_slice %arg4[%add3A_114, %dma_start3A_227] : memref<8192x2048xf32, #tpu.memory_space<hbm>> -> memref<16x2048xf32, #tpu.memory_space<hbm>>
      tpu.enqueue_dma source(%arg8 : memref<16x2048xf32, #tpu.memory_space<vmem>>) target(%dma_start3A_228 : memref<16x2048xf32, #tpu.memory_space<hbm>>) target_semaphore(%run_scoped3A : memref<!tpu.dma_semaphore, #tpu.memory_space<semaphore_mem>>)
      %dma_wait3A_229 = arith.constant 0 : i32
      %dma_wait3A_230 = tpu.memref_slice %arg4[%add3A_114, %dma_wait3A_229] : memref<8192x2048xf32, #tpu.memory_space<hbm>> -> memref<16x2048xf32, #tpu.memory_space<hbm>>
      %dma_wait3A_231 = arith.constant 0 : i32
      %dma_wait3A_232 = tpu.memref_slice %arg4[%add3A_114, %dma_wait3A_231] : memref<8192x2048xf32, #tpu.memory_space<hbm>> -> memref<16x2048xf32, #tpu.memory_space<hbm>>
      tpu.wait_dma2 semaphore(%run_scoped3A : memref<!tpu.dma_semaphore, #tpu.memory_space<semaphore_mem>>) src(%arg8 : memref<16x2048xf32, #tpu.memory_space<vmem>>) dst(%dma_wait3A_232 : memref<16x2048xf32, #tpu.memory_space<hbm>>)
      tpu.yield
    }) : () -> ()
    %dma_start3A_115 = arith.constant 128 : i32
    %dma_start3A_116 = tpu.memref_slice %arg5[%dma_start3A_115] : memref<256xi32, #tpu.memory_space<vmem>> -> memref<16xi32, #tpu.memory_space<vmem>>
    %dma_start3A_117 = arith.constant 0 : i32
    %dma_start3A_118 = arith.constant 0 : i32
    %dma_start3A_119 = tpu.memref_slice %arg2[%dma_start3A_117, %dma_start3A_118] : memref<2048x2048xf32, #tpu.memory_space<hbm>> -> memref<2048x2048xf32, #tpu.memory_space<hbm>>
    tpu.enqueue_indirect_dma source(%dma_start3A_119 : memref<2048x2048xf32, #tpu.memory_space<hbm>>) target(%arg8 : memref<16x2048xf32, #tpu.memory_space<vmem>>) offsets(%dma_start3A_116 : memref<16xi32, #tpu.memory_space<vmem>>) semaphore(%arg11 : memref<!tpu.dma_semaphore, #tpu.memory_space<semaphore_mem>>)
    %dma_wait3A_120 = arith.constant 96 : i32
    %dma_wait3A_121 = tpu.memref_slice %arg5[%dma_wait3A_120] : memref<256xi32, #tpu.memory_space<vmem>> -> memref<16xi32, #tpu.memory_space<vmem>>
    %dma_wait3A_122 = arith.constant 0 : i32
    %dma_wait3A_123 = arith.constant 0 : i32
    %dma_wait3A_124 = tpu.memref_slice %arg2[%dma_wait3A_122, %dma_wait3A_123] : memref<2048x2048xf32, #tpu.memory_space<hbm>> -> memref<2048x2048xf32, #tpu.memory_space<hbm>>
    tpu.wait_indirect_dma semaphore(%arg9 : memref<!tpu.dma_semaphore, #tpu.memory_space<semaphore_mem>>) src(%dma_wait3A_124 : memref<2048x2048xf32, #tpu.memory_space<hbm>>) dst(%arg6 : memref<16x2048xf32, #tpu.memory_space<vmem>>)
    %add3A_125 = arith.constant 96 : i32
    %add3A_126 = arith.addi %mul3A_2, %add3A_125 : i32
    "tpu.region"() ({
      %run_scoped3A = tpu.sem_alloc : memref<!tpu.dma_semaphore, #tpu.memory_space<semaphore_mem>>
      %dma_start3A_225 = arith.constant 0 : i32
      %dma_start3A_226 = tpu.memref_slice %arg4[%add3A_126, %dma_start3A_225] : memref<8192x2048xf32, #tpu.memory_space<hbm>> -> memref<16x2048xf32, #tpu.memory_space<hbm>>
      %dma_start3A_227 = arith.constant 0 : i32
      %dma_start3A_228 = tpu.memref_slice %arg4[%add3A_126, %dma_start3A_227] : memref<8192x2048xf32, #tpu.memory_space<hbm>> -> memref<16x2048xf32, #tpu.memory_space<hbm>>
      tpu.enqueue_dma source(%arg6 : memref<16x2048xf32, #tpu.memory_space<vmem>>) target(%dma_start3A_228 : memref<16x2048xf32, #tpu.memory_space<hbm>>) target_semaphore(%run_scoped3A : memref<!tpu.dma_semaphore, #tpu.memory_space<semaphore_mem>>)
      %dma_wait3A_229 = arith.constant 0 : i32
      %dma_wait3A_230 = tpu.memref_slice %arg4[%add3A_126, %dma_wait3A_229] : memref<8192x2048xf32, #tpu.memory_space<hbm>> -> memref<16x2048xf32, #tpu.memory_space<hbm>>
      %dma_wait3A_231 = arith.constant 0 : i32
      %dma_wait3A_232 = tpu.memref_slice %arg4[%add3A_126, %dma_wait3A_231] : memref<8192x2048xf32, #tpu.memory_space<hbm>> -> memref<16x2048xf32, #tpu.memory_space<hbm>>
      tpu.wait_dma2 semaphore(%run_scoped3A : memref<!tpu.dma_semaphore, #tpu.memory_space<semaphore_mem>>) src(%arg6 : memref<16x2048xf32, #tpu.memory_space<vmem>>) dst(%dma_wait3A_232 : memref<16x2048xf32, #tpu.memory_space<hbm>>)
      tpu.yield
    }) : () -> ()
    %dma_start3A_127 = arith.constant 144 : i32
    %dma_start3A_128 = tpu.memref_slice %arg5[%dma_start3A_127] : memref<256xi32, #tpu.memory_space<vmem>> -> memref<16xi32, #tpu.memory_space<vmem>>
    %dma_start3A_129 = arith.constant 0 : i32
    %dma_start3A_130 = arith.constant 0 : i32
    %dma_start3A_131 = tpu.memref_slice %arg2[%dma_start3A_129, %dma_start3A_130] : memref<2048x2048xf32, #tpu.memory_space<hbm>> -> memref<2048x2048xf32, #tpu.memory_space<hbm>>
    tpu.enqueue_indirect_dma source(%dma_start3A_131 : memref<2048x2048xf32, #tpu.memory_space<hbm>>) target(%arg6 : memref<16x2048xf32, #tpu.memory_space<vmem>>) offsets(%dma_start3A_128 : memref<16xi32, #tpu.memory_space<vmem>>) semaphore(%arg9 : memref<!tpu.dma_semaphore, #tpu.memory_space<semaphore_mem>>)
    %dma_wait3A_132 = arith.constant 112 : i32
    %dma_wait3A_133 = tpu.memref_slice %arg5[%dma_wait3A_132] : memref<256xi32, #tpu.memory_space<vmem>> -> memref<16xi32, #tpu.memory_space<vmem>>
    %dma_wait3A_134 = arith.constant 0 : i32
    %dma_wait3A_135 = arith.constant 0 : i32
    %dma_wait3A_136 = tpu.memref_slice %arg2[%dma_wait3A_134, %dma_wait3A_135] : memref<2048x2048xf32, #tpu.memory_space<hbm>> -> memref<2048x2048xf32, #tpu.memory_space<hbm>>
    tpu.wait_indirect_dma semaphore(%arg10 : memref<!tpu.dma_semaphore, #tpu.memory_space<semaphore_mem>>) src(%dma_wait3A_136 : memref<2048x2048xf32, #tpu.memory_space<hbm>>) dst(%arg7 : memref<16x2048xf32, #tpu.memory_space<vmem>>)
    %add3A_137 = arith.constant 112 : i32
    %add3A_138 = arith.addi %mul3A_2, %add3A_137 : i32
    "tpu.region"() ({
      %run_scoped3A = tpu.sem_alloc : memref<!tpu.dma_semaphore, #tpu.memory_space<semaphore_mem>>
      %dma_start3A_225 = arith.constant 0 : i32
      %dma_start3A_226 = tpu.memref_slice %arg4[%add3A_138, %dma_start3A_225] : memref<8192x2048xf32, #tpu.memory_space<hbm>> -> memref<16x2048xf32, #tpu.memory_space<hbm>>
      %dma_start3A_227 = arith.constant 0 : i32
      %dma_start3A_228 = tpu.memref_slice %arg4[%add3A_138, %dma_start3A_227] : memref<8192x2048xf32, #tpu.memory_space<hbm>> -> memref<16x2048xf32, #tpu.memory_space<hbm>>
      tpu.enqueue_dma source(%arg7 : memref<16x2048xf32, #tpu.memory_space<vmem>>) target(%dma_start3A_228 : memref<16x2048xf32, #tpu.memory_space<hbm>>) target_semaphore(%run_scoped3A : memref<!tpu.dma_semaphore, #tpu.memory_space<semaphore_mem>>)
      %dma_wait3A_229 = arith.constant 0 : i32
      %dma_wait3A_230 = tpu.memref_slice %arg4[%add3A_138, %dma_wait3A_229] : memref<8192x2048xf32, #tpu.memory_space<hbm>> -> memref<16x2048xf32, #tpu.memory_space<hbm>>
      %dma_wait3A_231 = arith.constant 0 : i32
      %dma_wait3A_232 = tpu.memref_slice %arg4[%add3A_138, %dma_wait3A_231] : memref<8192x2048xf32, #tpu.memory_space<hbm>> -> memref<16x2048xf32, #tpu.memory_space<hbm>>
      tpu.wait_dma2 semaphore(%run_scoped3A : memref<!tpu.dma_semaphore, #tpu.memory_space<semaphore_mem>>) src(%arg7 : memref<16x2048xf32, #tpu.memory_space<vmem>>) dst(%dma_wait3A_232 : memref<16x2048xf32, #tpu.memory_space<hbm>>)
      tpu.yield
    }) : () -> ()
    %dma_start3A_139 = arith.constant 160 : i32
    %dma_start3A_140 = tpu.memref_slice %arg5[%dma_start3A_139] : memref<256xi32, #tpu.memory_space<vmem>> -> memref<16xi32, #tpu.memory_space<vmem>>
    %dma_start3A_141 = arith.constant 0 : i32
    %dma_start3A_142 = arith.constant 0 : i32
    %dma_start3A_143 = tpu.memref_slice %arg2[%dma_start3A_141, %dma_start3A_142] : memref<2048x2048xf32, #tpu.memory_space<hbm>> -> memref<2048x2048xf32, #tpu.memory_space<hbm>>
    tpu.enqueue_indirect_dma source(%dma_start3A_143 : memref<2048x2048xf32, #tpu.memory_space<hbm>>) target(%arg7 : memref<16x2048xf32, #tpu.memory_space<vmem>>) offsets(%dma_start3A_140 : memref<16xi32, #tpu.memory_space<vmem>>) semaphore(%arg10 : memref<!tpu.dma_semaphore, #tpu.memory_space<semaphore_mem>>)
    %dma_wait3A_144 = arith.constant 128 : i32
    %dma_wait3A_145 = tpu.memref_slice %arg5[%dma_wait3A_144] : memref<256xi32, #tpu.memory_space<vmem>> -> memref<16xi32, #tpu.memory_space<vmem>>
    %dma_wait3A_146 = arith.constant 0 : i32
    %dma_wait3A_147 = arith.constant 0 : i32
    %dma_wait3A_148 = tpu.memref_slice %arg2[%dma_wait3A_146, %dma_wait3A_147] : memref<2048x2048xf32, #tpu.memory_space<hbm>> -> memref<2048x2048xf32, #tpu.memory_space<hbm>>
    tpu.wait_indirect_dma semaphore(%arg11 : memref<!tpu.dma_semaphore, #tpu.memory_space<semaphore_mem>>) src(%dma_wait3A_148 : memref<2048x2048xf32, #tpu.memory_space<hbm>>) dst(%arg8 : memref<16x2048xf32, #tpu.memory_space<vmem>>)
    %add3A_149 = arith.constant 128 : i32
    %add3A_150 = arith.addi %mul3A_2, %add3A_149 : i32
    "tpu.region"() ({
      %run_scoped3A = tpu.sem_alloc : memref<!tpu.dma_semaphore, #tpu.memory_space<semaphore_mem>>
      %dma_start3A_225 = arith.constant 0 : i32
      %dma_start3A_226 = tpu.memref_slice %arg4[%add3A_150, %dma_start3A_225] : memref<8192x2048xf32, #tpu.memory_space<hbm>> -> memref<16x2048xf32, #tpu.memory_space<hbm>>
      %dma_start3A_227 = arith.constant 0 : i32
      %dma_start3A_228 = tpu.memref_slice %arg4[%add3A_150, %dma_start3A_227] : memref<8192x2048xf32, #tpu.memory_space<hbm>> -> memref<16x2048xf32, #tpu.memory_space<hbm>>
      tpu.enqueue_dma source(%arg8 : memref<16x2048xf32, #tpu.memory_space<vmem>>) target(%dma_start3A_228 : memref<16x2048xf32, #tpu.memory_space<hbm>>) target_semaphore(%run_scoped3A : memref<!tpu.dma_semaphore, #tpu.memory_space<semaphore_mem>>)
      %dma_wait3A_229 = arith.constant 0 : i32
      %dma_wait3A_230 = tpu.memref_slice %arg4[%add3A_150, %dma_wait3A_229] : memref<8192x2048xf32, #tpu.memory_space<hbm>> -> memref<16x2048xf32, #tpu.memory_space<hbm>>
      %dma_wait3A_231 = arith.constant 0 : i32
      %dma_wait3A_232 = tpu.memref_slice %arg4[%add3A_150, %dma_wait3A_231] : memref<8192x2048xf32, #tpu.memory_space<hbm>> -> memref<16x2048xf32, #tpu.memory_space<hbm>>
      tpu.wait_dma2 semaphore(%run_scoped3A : memref<!tpu.dma_semaphore, #tpu.memory_space<semaphore_mem>>) src(%arg8 : memref<16x2048xf32, #tpu.memory_space<vmem>>) dst(%dma_wait3A_232 : memref<16x2048xf32, #tpu.memory_space<hbm>>)
      tpu.yield
    }) : () -> ()
    %dma_start3A_151 = arith.constant 176 : i32
    %dma_start3A_152 = tpu.memref_slice %arg5[%dma_start3A_151] : memref<256xi32, #tpu.memory_space<vmem>> -> memref<16xi32, #tpu.memory_space<vmem>>
    %dma_start3A_153 = arith.constant 0 : i32
    %dma_start3A_154 = arith.constant 0 : i32
    %dma_start3A_155 = tpu.memref_slice %arg2[%dma_start3A_153, %dma_start3A_154] : memref<2048x2048xf32, #tpu.memory_space<hbm>> -> memref<2048x2048xf32, #tpu.memory_space<hbm>>
    tpu.enqueue_indirect_dma source(%dma_start3A_155 : memref<2048x2048xf32, #tpu.memory_space<hbm>>) target(%arg8 : memref<16x2048xf32, #tpu.memory_space<vmem>>) offsets(%dma_start3A_152 : memref<16xi32, #tpu.memory_space<vmem>>) semaphore(%arg11 : memref<!tpu.dma_semaphore, #tpu.memory_space<semaphore_mem>>)
    %dma_wait3A_156 = arith.constant 144 : i32
    %dma_wait3A_157 = tpu.memref_slice %arg5[%dma_wait3A_156] : memref<256xi32, #tpu.memory_space<vmem>> -> memref<16xi32, #tpu.memory_space<vmem>>
    %dma_wait3A_158 = arith.constant 0 : i32
    %dma_wait3A_159 = arith.constant 0 : i32
    %dma_wait3A_160 = tpu.memref_slice %arg2[%dma_wait3A_158, %dma_wait3A_159] : memref<2048x2048xf32, #tpu.memory_space<hbm>> -> memref<2048x2048xf32, #tpu.memory_space<hbm>>
    tpu.wait_indirect_dma semaphore(%arg9 : memref<!tpu.dma_semaphore, #tpu.memory_space<semaphore_mem>>) src(%dma_wait3A_160 : memref<2048x2048xf32, #tpu.memory_space<hbm>>) dst(%arg6 : memref<16x2048xf32, #tpu.memory_space<vmem>>)
    %add3A_161 = arith.constant 144 : i32
    %add3A_162 = arith.addi %mul3A_2, %add3A_161 : i32
    "tpu.region"() ({
      %run_scoped3A = tpu.sem_alloc : memref<!tpu.dma_semaphore, #tpu.memory_space<semaphore_mem>>
      %dma_start3A_225 = arith.constant 0 : i32
      %dma_start3A_226 = tpu.memref_slice %arg4[%add3A_162, %dma_start3A_225] : memref<8192x2048xf32, #tpu.memory_space<hbm>> -> memref<16x2048xf32, #tpu.memory_space<hbm>>
      %dma_start3A_227 = arith.constant 0 : i32
      %dma_start3A_228 = tpu.memref_slice %arg4[%add3A_162, %dma_start3A_227] : memref<8192x2048xf32, #tpu.memory_space<hbm>> -> memref<16x2048xf32, #tpu.memory_space<hbm>>
      tpu.enqueue_dma source(%arg6 : memref<16x2048xf32, #tpu.memory_space<vmem>>) target(%dma_start3A_228 : memref<16x2048xf32, #tpu.memory_space<hbm>>) target_semaphore(%run_scoped3A : memref<!tpu.dma_semaphore, #tpu.memory_space<semaphore_mem>>)
      %dma_wait3A_229 = arith.constant 0 : i32
      %dma_wait3A_230 = tpu.memref_slice %arg4[%add3A_162, %dma_wait3A_229] : memref<8192x2048xf32, #tpu.memory_space<hbm>> -> memref<16x2048xf32, #tpu.memory_space<hbm>>
      %dma_wait3A_231 = arith.constant 0 : i32
      %dma_wait3A_232 = tpu.memref_slice %arg4[%add3A_162, %dma_wait3A_231] : memref<8192x2048xf32, #tpu.memory_space<hbm>> -> memref<16x2048xf32, #tpu.memory_space<hbm>>
      tpu.wait_dma2 semaphore(%run_scoped3A : memref<!tpu.dma_semaphore, #tpu.memory_space<semaphore_mem>>) src(%arg6 : memref<16x2048xf32, #tpu.memory_space<vmem>>) dst(%dma_wait3A_232 : memref<16x2048xf32, #tpu.memory_space<hbm>>)
      tpu.yield
    }) : () -> ()
    %dma_start3A_163 = arith.constant 192 : i32
    %dma_start3A_164 = tpu.memref_slice %arg5[%dma_start3A_163] : memref<256xi32, #tpu.memory_space<vmem>> -> memref<16xi32, #tpu.memory_space<vmem>>
    %dma_start3A_165 = arith.constant 0 : i32
    %dma_start3A_166 = arith.constant 0 : i32
    %dma_start3A_167 = tpu.memref_slice %arg2[%dma_start3A_165, %dma_start3A_166] : memref<2048x2048xf32, #tpu.memory_space<hbm>> -> memref<2048x2048xf32, #tpu.memory_space<hbm>>
    tpu.enqueue_indirect_dma source(%dma_start3A_167 : memref<2048x2048xf32, #tpu.memory_space<hbm>>) target(%arg6 : memref<16x2048xf32, #tpu.memory_space<vmem>>) offsets(%dma_start3A_164 : memref<16xi32, #tpu.memory_space<vmem>>) semaphore(%arg9 : memref<!tpu.dma_semaphore, #tpu.memory_space<semaphore_mem>>)
    %dma_wait3A_168 = arith.constant 160 : i32
    %dma_wait3A_169 = tpu.memref_slice %arg5[%dma_wait3A_168] : memref<256xi32, #tpu.memory_space<vmem>> -> memref<16xi32, #tpu.memory_space<vmem>>
    %dma_wait3A_170 = arith.constant 0 : i32
    %dma_wait3A_171 = arith.constant 0 : i32
    %dma_wait3A_172 = tpu.memref_slice %arg2[%dma_wait3A_170, %dma_wait3A_171] : memref<2048x2048xf32, #tpu.memory_space<hbm>> -> memref<2048x2048xf32, #tpu.memory_space<hbm>>
    tpu.wait_indirect_dma semaphore(%arg10 : memref<!tpu.dma_semaphore, #tpu.memory_space<semaphore_mem>>) src(%dma_wait3A_172 : memref<2048x2048xf32, #tpu.memory_space<hbm>>) dst(%arg7 : memref<16x2048xf32, #tpu.memory_space<vmem>>)
    %add3A_173 = arith.constant 160 : i32
    %add3A_174 = arith.addi %mul3A_2, %add3A_173 : i32
    "tpu.region"() ({
      %run_scoped3A = tpu.sem_alloc : memref<!tpu.dma_semaphore, #tpu.memory_space<semaphore_mem>>
      %dma_start3A_225 = arith.constant 0 : i32
      %dma_start3A_226 = tpu.memref_slice %arg4[%add3A_174, %dma_start3A_225] : memref<8192x2048xf32, #tpu.memory_space<hbm>> -> memref<16x2048xf32, #tpu.memory_space<hbm>>
      %dma_start3A_227 = arith.constant 0 : i32
      %dma_start3A_228 = tpu.memref_slice %arg4[%add3A_174, %dma_start3A_227] : memref<8192x2048xf32, #tpu.memory_space<hbm>> -> memref<16x2048xf32, #tpu.memory_space<hbm>>
      tpu.enqueue_dma source(%arg7 : memref<16x2048xf32, #tpu.memory_space<vmem>>) target(%dma_start3A_228 : memref<16x2048xf32, #tpu.memory_space<hbm>>) target_semaphore(%run_scoped3A : memref<!tpu.dma_semaphore, #tpu.memory_space<semaphore_mem>>)
      %dma_wait3A_229 = arith.constant 0 : i32
      %dma_wait3A_230 = tpu.memref_slice %arg4[%add3A_174, %dma_wait3A_229] : memref<8192x2048xf32, #tpu.memory_space<hbm>> -> memref<16x2048xf32, #tpu.memory_space<hbm>>
      %dma_wait3A_231 = arith.constant 0 : i32
      %dma_wait3A_232 = tpu.memref_slice %arg4[%add3A_174, %dma_wait3A_231] : memref<8192x2048xf32, #tpu.memory_space<hbm>> -> memref<16x2048xf32, #tpu.memory_space<hbm>>
      tpu.wait_dma2 semaphore(%run_scoped3A : memref<!tpu.dma_semaphore, #tpu.memory_space<semaphore_mem>>) src(%arg7 : memref<16x2048xf32, #tpu.memory_space<vmem>>) dst(%dma_wait3A_232 : memref<16x2048xf32, #tpu.memory_space<hbm>>)
      tpu.yield
    }) : () -> ()
    %dma_start3A_175 = arith.constant 208 : i32
    %dma_start3A_176 = tpu.memref_slice %arg5[%dma_start3A_175] : memref<256xi32, #tpu.memory_space<vmem>> -> memref<16xi32, #tpu.memory_space<vmem>>
    %dma_start3A_177 = arith.constant 0 : i32
    %dma_start3A_178 = arith.constant 0 : i32
    %dma_start3A_179 = tpu.memref_slice %arg2[%dma_start3A_177, %dma_start3A_178] : memref<2048x2048xf32, #tpu.memory_space<hbm>> -> memref<2048x2048xf32, #tpu.memory_space<hbm>>
    tpu.enqueue_indirect_dma source(%dma_start3A_179 : memref<2048x2048xf32, #tpu.memory_space<hbm>>) target(%arg7 : memref<16x2048xf32, #tpu.memory_space<vmem>>) offsets(%dma_start3A_176 : memref<16xi32, #tpu.memory_space<vmem>>) semaphore(%arg10 : memref<!tpu.dma_semaphore, #tpu.memory_space<semaphore_mem>>)
    %dma_wait3A_180 = arith.constant 176 : i32
    %dma_wait3A_181 = tpu.memref_slice %arg5[%dma_wait3A_180] : memref<256xi32, #tpu.memory_space<vmem>> -> memref<16xi32, #tpu.memory_space<vmem>>
    %dma_wait3A_182 = arith.constant 0 : i32
    %dma_wait3A_183 = arith.constant 0 : i32
    %dma_wait3A_184 = tpu.memref_slice %arg2[%dma_wait3A_182, %dma_wait3A_183] : memref<2048x2048xf32, #tpu.memory_space<hbm>> -> memref<2048x2048xf32, #tpu.memory_space<hbm>>
    tpu.wait_indirect_dma semaphore(%arg11 : memref<!tpu.dma_semaphore, #tpu.memory_space<semaphore_mem>>) src(%dma_wait3A_184 : memref<2048x2048xf32, #tpu.memory_space<hbm>>) dst(%arg8 : memref<16x2048xf32, #tpu.memory_space<vmem>>)
    %add3A_185 = arith.constant 176 : i32
    %add3A_186 = arith.addi %mul3A_2, %add3A_185 : i32
    "tpu.region"() ({
      %run_scoped3A = tpu.sem_alloc : memref<!tpu.dma_semaphore, #tpu.memory_space<semaphore_mem>>
      %dma_start3A_225 = arith.constant 0 : i32
      %dma_start3A_226 = tpu.memref_slice %arg4[%add3A_186, %dma_start3A_225] : memref<8192x2048xf32, #tpu.memory_space<hbm>> -> memref<16x2048xf32, #tpu.memory_space<hbm>>
      %dma_start3A_227 = arith.constant 0 : i32
      %dma_start3A_228 = tpu.memref_slice %arg4[%add3A_186, %dma_start3A_227] : memref<8192x2048xf32, #tpu.memory_space<hbm>> -> memref<16x2048xf32, #tpu.memory_space<hbm>>
      tpu.enqueue_dma source(%arg8 : memref<16x2048xf32, #tpu.memory_space<vmem>>) target(%dma_start3A_228 : memref<16x2048xf32, #tpu.memory_space<hbm>>) target_semaphore(%run_scoped3A : memref<!tpu.dma_semaphore, #tpu.memory_space<semaphore_mem>>)
      %dma_wait3A_229 = arith.constant 0 : i32
      %dma_wait3A_230 = tpu.memref_slice %arg4[%add3A_186, %dma_wait3A_229] : memref<8192x2048xf32, #tpu.memory_space<hbm>> -> memref<16x2048xf32, #tpu.memory_space<hbm>>
      %dma_wait3A_231 = arith.constant 0 : i32
      %dma_wait3A_232 = tpu.memref_slice %arg4[%add3A_186, %dma_wait3A_231] : memref<8192x2048xf32, #tpu.memory_space<hbm>> -> memref<16x2048xf32, #tpu.memory_space<hbm>>
      tpu.wait_dma2 semaphore(%run_scoped3A : memref<!tpu.dma_semaphore, #tpu.memory_space<semaphore_mem>>) src(%arg8 : memref<16x2048xf32, #tpu.memory_space<vmem>>) dst(%dma_wait3A_232 : memref<16x2048xf32, #tpu.memory_space<hbm>>)
      tpu.yield
    }) : () -> ()
    %dma_start3A_187 = arith.constant 224 : i32
    %dma_start3A_188 = tpu.memref_slice %arg5[%dma_start3A_187] : memref<256xi32, #tpu.memory_space<vmem>> -> memref<16xi32, #tpu.memory_space<vmem>>
    %dma_start3A_189 = arith.constant 0 : i32
    %dma_start3A_190 = arith.constant 0 : i32
    %dma_start3A_191 = tpu.memref_slice %arg2[%dma_start3A_189, %dma_start3A_190] : memref<2048x2048xf32, #tpu.memory_space<hbm>> -> memref<2048x2048xf32, #tpu.memory_space<hbm>>
    tpu.enqueue_indirect_dma source(%dma_start3A_191 : memref<2048x2048xf32, #tpu.memory_space<hbm>>) target(%arg8 : memref<16x2048xf32, #tpu.memory_space<vmem>>) offsets(%dma_start3A_188 : memref<16xi32, #tpu.memory_space<vmem>>) semaphore(%arg11 : memref<!tpu.dma_semaphore, #tpu.memory_space<semaphore_mem>>)
    %dma_wait3A_192 = arith.constant 192 : i32
    %dma_wait3A_193 = tpu.memref_slice %arg5[%dma_wait3A_192] : memref<256xi32, #tpu.memory_space<vmem>> -> memref<16xi32, #tpu.memory_space<vmem>>
    %dma_wait3A_194 = arith.constant 0 : i32
    %dma_wait3A_195 = arith.constant 0 : i32
    %dma_wait3A_196 = tpu.memref_slice %arg2[%dma_wait3A_194, %dma_wait3A_195] : memref<2048x2048xf32, #tpu.memory_space<hbm>> -> memref<2048x2048xf32, #tpu.memory_space<hbm>>
    tpu.wait_indirect_dma semaphore(%arg9 : memref<!tpu.dma_semaphore, #tpu.memory_space<semaphore_mem>>) src(%dma_wait3A_196 : memref<2048x2048xf32, #tpu.memory_space<hbm>>) dst(%arg6 : memref<16x2048xf32, #tpu.memory_space<vmem>>)
    %add3A_197 = arith.constant 192 : i32
    %add3A_198 = arith.addi %mul3A_2, %add3A_197 : i32
    "tpu.region"() ({
      %run_scoped3A = tpu.sem_alloc : memref<!tpu.dma_semaphore, #tpu.memory_space<semaphore_mem>>
      %dma_start3A_225 = arith.constant 0 : i32
      %dma_start3A_226 = tpu.memref_slice %arg4[%add3A_198, %dma_start3A_225] : memref<8192x2048xf32, #tpu.memory_space<hbm>> -> memref<16x2048xf32, #tpu.memory_space<hbm>>
      %dma_start3A_227 = arith.constant 0 : i32
      %dma_start3A_228 = tpu.memref_slice %arg4[%add3A_198, %dma_start3A_227] : memref<8192x2048xf32, #tpu.memory_space<hbm>> -> memref<16x2048xf32, #tpu.memory_space<hbm>>
      tpu.enqueue_dma source(%arg6 : memref<16x2048xf32, #tpu.memory_space<vmem>>) target(%dma_start3A_228 : memref<16x2048xf32, #tpu.memory_space<hbm>>) target_semaphore(%run_scoped3A : memref<!tpu.dma_semaphore, #tpu.memory_space<semaphore_mem>>)
      %dma_wait3A_229 = arith.constant 0 : i32
      %dma_wait3A_230 = tpu.memref_slice %arg4[%add3A_198, %dma_wait3A_229] : memref<8192x2048xf32, #tpu.memory_space<hbm>> -> memref<16x2048xf32, #tpu.memory_space<hbm>>
      %dma_wait3A_231 = arith.constant 0 : i32
      %dma_wait3A_232 = tpu.memref_slice %arg4[%add3A_198, %dma_wait3A_231] : memref<8192x2048xf32, #tpu.memory_space<hbm>> -> memref<16x2048xf32, #tpu.memory_space<hbm>>
      tpu.wait_dma2 semaphore(%run_scoped3A : memref<!tpu.dma_semaphore, #tpu.memory_space<semaphore_mem>>) src(%arg6 : memref<16x2048xf32, #tpu.memory_space<vmem>>) dst(%dma_wait3A_232 : memref<16x2048xf32, #tpu.memory_space<hbm>>)
      tpu.yield
    }) : () -> ()
    %dma_start3A_199 = arith.constant 240 : i32
    %dma_start3A_200 = tpu.memref_slice %arg5[%dma_start3A_199] : memref<256xi32, #tpu.memory_space<vmem>> -> memref<16xi32, #tpu.memory_space<vmem>>
    %dma_start3A_201 = arith.constant 0 : i32
    %dma_start3A_202 = arith.constant 0 : i32
    %dma_start3A_203 = tpu.memref_slice %arg2[%dma_start3A_201, %dma_start3A_202] : memref<2048x2048xf32, #tpu.memory_space<hbm>> -> memref<2048x2048xf32, #tpu.memory_space<hbm>>
    tpu.enqueue_indirect_dma source(%dma_start3A_203 : memref<2048x2048xf32, #tpu.memory_space<hbm>>) target(%arg6 : memref<16x2048xf32, #tpu.memory_space<vmem>>) offsets(%dma_start3A_200 : memref<16xi32, #tpu.memory_space<vmem>>) semaphore(%arg9 : memref<!tpu.dma_semaphore, #tpu.memory_space<semaphore_mem>>)
    %dma_wait3A_204 = arith.constant 208 : i32
    %dma_wait3A_205 = tpu.memref_slice %arg5[%dma_wait3A_204] : memref<256xi32, #tpu.memory_space<vmem>> -> memref<16xi32, #tpu.memory_space<vmem>>
    %dma_wait3A_206 = arith.constant 0 : i32
    %dma_wait3A_207 = arith.constant 0 : i32
    %dma_wait3A_208 = tpu.memref_slice %arg2[%dma_wait3A_206, %dma_wait3A_207] : memref<2048x2048xf32, #tpu.memory_space<hbm>> -> memref<2048x2048xf32, #tpu.memory_space<hbm>>
    tpu.wait_indirect_dma semaphore(%arg10 : memref<!tpu.dma_semaphore, #tpu.memory_space<semaphore_mem>>) src(%dma_wait3A_208 : memref<2048x2048xf32, #tpu.memory_space<hbm>>) dst(%arg7 : memref<16x2048xf32, #tpu.memory_space<vmem>>)
    %add3A_209 = arith.constant 208 : i32
    %add3A_210 = arith.addi %mul3A_2, %add3A_209 : i32
    "tpu.region"() ({
      %run_scoped3A = tpu.sem_alloc : memref<!tpu.dma_semaphore, #tpu.memory_space<semaphore_mem>>
      %dma_start3A_225 = arith.constant 0 : i32
      %dma_start3A_226 = tpu.memref_slice %arg4[%add3A_210, %dma_start3A_225] : memref<8192x2048xf32, #tpu.memory_space<hbm>> -> memref<16x2048xf32, #tpu.memory_space<hbm>>
      %dma_start3A_227 = arith.constant 0 : i32
      %dma_start3A_228 = tpu.memref_slice %arg4[%add3A_210, %dma_start3A_227] : memref<8192x2048xf32, #tpu.memory_space<hbm>> -> memref<16x2048xf32, #tpu.memory_space<hbm>>
      tpu.enqueue_dma source(%arg7 : memref<16x2048xf32, #tpu.memory_space<vmem>>) target(%dma_start3A_228 : memref<16x2048xf32, #tpu.memory_space<hbm>>) target_semaphore(%run_scoped3A : memref<!tpu.dma_semaphore, #tpu.memory_space<semaphore_mem>>)
      %dma_wait3A_229 = arith.constant 0 : i32
      %dma_wait3A_230 = tpu.memref_slice %arg4[%add3A_210, %dma_wait3A_229] : memref<8192x2048xf32, #tpu.memory_space<hbm>> -> memref<16x2048xf32, #tpu.memory_space<hbm>>
      %dma_wait3A_231 = arith.constant 0 : i32
      %dma_wait3A_232 = tpu.memref_slice %arg4[%add3A_210, %dma_wait3A_231] : memref<8192x2048xf32, #tpu.memory_space<hbm>> -> memref<16x2048xf32, #tpu.memory_space<hbm>>
      tpu.wait_dma2 semaphore(%run_scoped3A : memref<!tpu.dma_semaphore, #tpu.memory_space<semaphore_mem>>) src(%arg7 : memref<16x2048xf32, #tpu.memory_space<vmem>>) dst(%dma_wait3A_232 : memref<16x2048xf32, #tpu.memory_space<hbm>>)
      tpu.yield
    }) : () -> ()
    %dma_wait3A_211 = arith.constant 224 : i32
    %dma_wait3A_212 = tpu.memref_slice %arg5[%dma_wait3A_211] : memref<256xi32, #tpu.memory_space<vmem>> -> memref<16xi32, #tpu.memory_space<vmem>>
    %dma_wait3A_213 = arith.constant 0 : i32
    %dma_wait3A_214 = arith.constant 0 : i32
    %dma_wait3A_215 = tpu.memref_slice %arg2[%dma_wait3A_213, %dma_wait3A_214] : memref<2048x2048xf32, #tpu.memory_space<hbm>> -> memref<2048x2048xf32, #tpu.memory_space<hbm>>
    tpu.wait_indirect_dma semaphore(%arg11 : memref<!tpu.dma_semaphore, #tpu.memory_space<semaphore_mem>>) src(%dma_wait3A_215 : memref<2048x2048xf32, #tpu.memory_space<hbm>>) dst(%arg8 : memref<16x2048xf32, #tpu.memory_space<vmem>>)
    %add3A_216 = arith.constant 224 : i32
    %add3A_217 = arith.addi %mul3A_2, %add3A_216 : i32
    "tpu.region"() ({
      %run_scoped3A = tpu.sem_alloc : memref<!tpu.dma_semaphore, #tpu.memory_space<semaphore_mem>>
      %dma_start3A_225 = arith.constant 0 : i32
      %dma_start3A_226 = tpu.memref_slice %arg4[%add3A_217, %dma_start3A_225] : memref<8192x2048xf32, #tpu.memory_space<hbm>> -> memref<16x2048xf32, #tpu.memory_space<hbm>>
      %dma_start3A_227 = arith.constant 0 : i32
      %dma_start3A_228 = tpu.memref_slice %arg4[%add3A_217, %dma_start3A_227] : memref<8192x2048xf32, #tpu.memory_space<hbm>> -> memref<16x2048xf32, #tpu.memory_space<hbm>>
      tpu.enqueue_dma source(%arg8 : memref<16x2048xf32, #tpu.memory_space<vmem>>) target(%dma_start3A_228 : memref<16x2048xf32, #tpu.memory_space<hbm>>) target_semaphore(%run_scoped3A : memref<!tpu.dma_semaphore, #tpu.memory_space<semaphore_mem>>)
      %dma_wait3A_229 = arith.constant 0 : i32
      %dma_wait3A_230 = tpu.memref_slice %arg4[%add3A_217, %dma_wait3A_229] : memref<8192x2048xf32, #tpu.memory_space<hbm>> -> memref<16x2048xf32, #tpu.memory_space<hbm>>
      %dma_wait3A_231 = arith.constant 0 : i32
      %dma_wait3A_232 = tpu.memref_slice %arg4[%add3A_217, %dma_wait3A_231] : memref<8192x2048xf32, #tpu.memory_space<hbm>> -> memref<16x2048xf32, #tpu.memory_space<hbm>>
      tpu.wait_dma2 semaphore(%run_scoped3A : memref<!tpu.dma_semaphore, #tpu.memory_space<semaphore_mem>>) src(%arg8 : memref<16x2048xf32, #tpu.memory_space<vmem>>) dst(%dma_wait3A_232 : memref<16x2048xf32, #tpu.memory_space<hbm>>)
      tpu.yield
    }) : () -> ()
    %dma_wait3A_218 = arith.constant 240 : i32
    %dma_wait3A_219 = tpu.memref_slice %arg5[%dma_wait3A_218] : memref<256xi32, #tpu.memory_space<vmem>> -> memref<16xi32, #tpu.memory_space<vmem>>
    %dma_wait3A_220 = arith.constant 0 : i32
    %dma_wait3A_221 = arith.constant 0 : i32
    %dma_wait3A_222 = tpu.memref_slice %arg2[%dma_wait3A_220, %dma_wait3A_221] : memref<2048x2048xf32, #tpu.memory_space<hbm>> -> memref<2048x2048xf32, #tpu.memory_space<hbm>>
    tpu.wait_indirect_dma semaphore(%arg9 : memref<!tpu.dma_semaphore, #tpu.memory_space<semaphore_mem>>) src(%dma_wait3A_222 : memref<2048x2048xf32, #tpu.memory_space<hbm>>) dst(%arg6 : memref<16x2048xf32, #tpu.memory_space<vmem>>)
    %add3A_223 = arith.constant 240 : i32
    %add3A_224 = arith.addi %mul3A_2, %add3A_223 : i32
    "tpu.region"() ({
      %run_scoped3A = tpu.sem_alloc : memref<!tpu.dma_semaphore, #tpu.memory_space<semaphore_mem>>
      %dma_start3A_225 = arith.constant 0 : i32
      %dma_start3A_226 = tpu.memref_slice %arg4[%add3A_224, %dma_start3A_225] : memref<8192x2048xf32, #tpu.memory_space<hbm>> -> memref<16x2048xf32, #tpu.memory_space<hbm>>
      %dma_start3A_227 = arith.constant 0 : i32
      %dma_start3A_228 = tpu.memref_slice %arg4[%add3A_224, %dma_start3A_227] : memref<8192x2048xf32, #tpu.memory_space<hbm>> -> memref<16x2048xf32, #tpu.memory_space<hbm>>
      tpu.enqueue_dma source(%arg6 : memref<16x2048xf32, #tpu.memory_space<vmem>>) target(%dma_start3A_228 : memref<16x2048xf32, #tpu.memory_space<hbm>>) target_semaphore(%run_scoped3A : memref<!tpu.dma_semaphore, #tpu.memory_space<semaphore_mem>>)
      %dma_wait3A_229 = arith.constant 0 : i32
      %dma_wait3A_230 = tpu.memref_slice %arg4[%add3A_224, %dma_wait3A_229] : memref<8192x2048xf32, #tpu.memory_space<hbm>> -> memref<16x2048xf32, #tpu.memory_space<hbm>>
      %dma_wait3A_231 = arith.constant 0 : i32
      %dma_wait3A_232 = tpu.memref_slice %arg4[%add3A_224, %dma_wait3A_231] : memref<8192x2048xf32, #tpu.memory_space<hbm>> -> memref<16x2048xf32, #tpu.memory_space<hbm>>
      tpu.wait_dma2 semaphore(%run_scoped3A : memref<!tpu.dma_semaphore, #tpu.memory_space<semaphore_mem>>) src(%arg6 : memref<16x2048xf32, #tpu.memory_space<vmem>>) dst(%dma_wait3A_232 : memref<16x2048xf32, #tpu.memory_space<hbm>>)
      tpu.yield
    }) : () -> ()
    return
  }
}

module attributes {stable_mosaic.version = 14 : i64} {
  func.func @_table_body(%arg0: i32, %arg1: memref<512x2048xf32, #tpu.memory_space<vmem>>, %arg2: memref<2048x2048xf32, #tpu.memory_space<vmem>>, %arg3: memref<1x2048xf32, #tpu.memory_space<vmem>>, %arg4: memref<512x2048xf32, #tpu.memory_space<vmem>>) attributes {dimension_semantics = [#tpu.dimension_semantics<arbitrary>], iteration_bounds = array<i64: 4>, scalar_prefetch = 0 : i64, scratch_operands = 0 : i64, tpu.core_type = #tpu.core_type<tc>, window_params = [{transform_indices = @transform_0, window_bounds = array<i64: 512, 2048>}, {pipeline_mode = #tpu.pipeline_mode<synchronous>, transform_indices = @transform_1, window_bounds = array<i64: 2048, 2048>}, {pipeline_mode = #tpu.pipeline_mode<synchronous>, transform_indices = @transform_2, window_bounds = array<i64: 1, 2048>}, {transform_indices = @transform_3, window_bounds = array<i64: 512, 2048>}]} {
    %get3A = arith.constant 0 : index
    %get3A_0 = arith.constant 0 : index
    %get3A_1 = vector.load %arg1[%get3A, %get3A_0] : memref<512x2048xf32, #tpu.memory_space<vmem>>, vector<512x2048xf32>
    %convert_element_type3A = arith.truncf %get3A_1 : vector<512x2048xf32> to vector<512x2048xbf16>
    %get3A_2 = arith.constant 0 : index
    %get3A_3 = arith.constant 0 : index
    %get3A_4 = vector.load %arg2[%get3A_2, %get3A_3] : memref<2048x2048xf32, #tpu.memory_space<vmem>>, vector<2048x2048xf32>
    %convert_element_type3A_5 = arith.truncf %get3A_4 : vector<2048x2048xf32> to vector<2048x2048xbf16>
    %dot_general3A = arith.constant dense<0.000000e+00> : vector<512x2048xf32>
    %dot_general3A_6 = tpu.matmul %convert_element_type3A, %convert_element_type3A_5, %dot_general3A {dimension_numbers = #tpu.dot_dimension_numbers<[1], [1], [0], [0], [0, 0, 1, 0], [], []>, transpose_lhs_hint = false} : vector<512x2048xbf16>, vector<2048x2048xbf16>, vector<512x2048xf32> -> vector<512x2048xf32>
    %get3A_7 = arith.constant 0 : index
    %get3A_8 = arith.constant 0 : index
    %get3A_9 = vector.load %arg3[%get3A_7, %get3A_8] : memref<1x2048xf32, #tpu.memory_space<vmem>>, vector<1x2048xf32>
    %add3A = vector.broadcast %get3A_9 : vector<1x2048xf32> to vector<512x2048xf32>
    %add3A_10 = arith.addf %dot_general3A_6, %add3A : vector<512x2048xf32>
    %swap3A = arith.constant 0 : index
    %swap3A_11 = arith.constant 0 : index
    %swap3A_12 = vector.load %arg4[%swap3A, %swap3A_11] : memref<512x2048xf32, #tpu.memory_space<vmem>>, vector<512x2048xf32>
    tpu.vector_store %arg4[%swap3A, %swap3A_11], %add3A_10 {strides = array<i32>} : memref<512x2048xf32, #tpu.memory_space<vmem>>, vector<512x2048xf32>,
    return
  }
  func.func @transform_0(%arg0: i32) -> (i32, i32) {
    %c0_i32 = arith.constant 0 : i32
    %c0_i32_0 = arith.constant 0 : i32
    return %arg0, %c0_i32 : i32, i32
  }
  func.func @transform_1(%arg0: i32) -> (i32, i32) {
    %c0_i32 = arith.constant 0 : i32
    %c0_i32_0 = arith.constant 0 : i32
    %c0_i32_1 = arith.constant 0 : i32
    return %c0_i32, %c0_i32_0 : i32, i32
  }
  func.func @transform_2(%arg0: i32) -> (i32, i32) {
    %c0_i32 = arith.constant 0 : i32
    %c0_i32_0 = arith.constant 0 : i32
    %c0_i32_1 = arith.constant 0 : i32
    return %c0_i32, %c0_i32_0 : i32, i32
  }
  func.func @transform_3(%arg0: i32) -> (i32, i32) {
    %c0_i32 = arith.constant 0 : i32
    %c0_i32_0 = arith.constant 0 : i32
    return %arg0, %c0_i32 : i32, i32
  }
}

</mosaic_0001>

<sc_bundles>
// kernel: kernel.4.cloned.1.call-start
scs
__scs_entry_jumppad:
0x0: {  	(pc) =	sbr.rel $0x88, $3  }
0x1: {  	(tag) =	ssettag $0x0;
	lr =	simm.s32 $0x1  }
0x2: {  	[smem:$0x3F9D] =	sst lr;
	_ =	strace $0xD0000000  }
0x3: {  	_ = 	snop  }
0x4: {  	_ = 	snop  }
0x5: {  	_ = 	snop  }
0x6: {  	_ = 	snop  }
0x7: {  	_ = 	snop  }
__scs_overlays_trampoline_lowered:
0x8: {  	[smem:$0x3FAC] =	sst s0  }
0x9: {  	[smem:$0x3FAD] =	sst s1  }
0xa: {  	[smem:$0x3FAE] =	sst s2  }
0xb: {  	[smem:$0x3FAF] =	sst s3  }
0xc: {  	[smem:$0x3FB0] =	sst s4  }
0xd: {  	[smem:$0x3FB1] =	sst s5  }
0xe: {  	[smem:$0x3FB2] =	sst s6  }
0xf: {  	[smem:$0x3FB3] =	sst s7  }
0x10: {  	[smem:$0x3FB4] =	sst s8  }
0x11: {  	[smem:$0x3FB5] =	sst s9;
	s0 =	simm.s32 @!p0 $0x0  }
0x12: {  	s1 =	sld [smem:$0x3F9B];
	s0 =	simm.s32 @p0 $0x1  }
0x13: {  	[smem:$0x3FB6] =	sst s0;
	s0 =	simm.s32 @!p1 $0x0  }
0x14: {  	s2 =	sld [smem:$0x3F9A];
	s0 =	simm.s32 @p1 $0x1  }
0x15: {  	[smem:$0x3FB7] =	sst s0;
	s0 =	simm.s32 @!p2 $0x0  }
0x16: {  	s3 =	sld [smem:$0x3FDB];
	s0 =	simm.s32 @p2 $0x1  }
0x17: {  	s4 =	simm.s32 $0x1BF5;
	[smem:$0x3FB9] =	sst s0  }
0x18: {  	s0 =	sld [smem:$0x3F9C];
	_ =	swait.ge [sflag:s4], $0x0  }
0x19: {  	s7 =	sld [smem:$0x3F9D]  }
0x1a: {  	s8 =	sadd.s32 $0xFFFFE003, lr  }
0x1b: {  	s9 =	sadd.s32 $0xFFFFFEF7, lr;
	s5 =	simm.s32 $0xFFFFFFFF;
	p2 =	slt.u32 s8, $0xFFFFF086  }
0x1c: {  	p1 =	slt.u32 s9, $0xF7A;
	s5 =	simm.s32 @!p2 $0x0  }
0x1d: {  	s5 =	simm.s32 @p1 $0x1;
	p0 =	seq.s32 s7, s2  }
0x1e: {  	s7 =	smul.u32 @!p0 $0xF7A, s2;
	p2 =	seq.s32 @!p0 s5, $0x0  }
0x1f: {  	s9 =	smul.u32 $0xF7A, s1;
	s8 =	simm.s32 @!p0 $0x1BF5;
	p2 =	por !p2, p0  }
0x20: {  	[sflag:s8] =	ssyncset.s32 @!p0 $0xFFFFF086;
	s6 =	sadd.s32 @!p0 s3, s7;
	s7 =	simm.s32 @!p0 $0x108  }
0x21: {  	s3 =	sadd.s32 s3, s9;
	s6 =	sadd.s32 @!p0 $0x88, s6;
	s7 =	simm.s32 @p2 $0x1082  }
0x22: {  	[simem:s7], [sflag:s8] =	dma.local @!p0 [hbm:s6], $0xF7A  }
0x23: {  	s9 =	sor.u32 $0xD0000000, s2;
	s6 =	simm.s32 $0x108;
	_ =	swait.ge @!p0 [sflag:s8], $0x0  }
0x24: {  	s3 =	sadd.s32 $0x88, s3;
	s6 =	simm.s32 @!p1 $0x1082;
	[sflag:s4] =	ssyncset.s32 $0xFFFFF086  }
0x25: {  	[simem:s6], [sflag:s4] =	dma.local [hbm:s3], $0xF7A  }
0x26: {  	[smem:$0x3F9D] =	sst s1;
	(tag) =	ssettag s2;
	_ =	strace s9  }
0x27: {  	s1 =	sld [smem:$0x3FAD]  }
0x28: {  	s2 =	sld [smem:$0x3FAE]  }
0x29: {  	s4 =	sld [smem:$0x3FB0]  }
0x2a: {  	p0 =	seq.s32 s5, $0x0;
	s5 =	sld [smem:$0x3FB1]  }
0x2b: {  	s6 =	sld [smem:$0x3FB2]  }
0x2c: {  	s7 =	sld [smem:$0x3FB3]  }
0x2d: {  	s3 =	simm.s32 $0x108;
	s8 =	sld [smem:$0x3FB4]  }
0x2e: {  	s3 =	simm.s32 @!p0 $0x1082;
	s9 =	sld [smem:$0x3FB5]  }
0x2f: {  	lr =	sadd.s32 s0, s3;
	s0 =	sld [smem:$0x3FAC]  }
0x30: {  	s3 =	sld [smem:$0x3FAF]  }
0x31: {  	[smem:$0x3FB8] =	sst s10  }
0x32: {  	s10 =	sld [smem:$0x3FB6];
	_ =	sdelay $0x3  }
0x33: {  	p0 =	seq.s32 s10, $0x1;
	s10 =	sld [smem:$0x3FB8];
	_ =	sdelay $0x3  }
0x34: {  	[smem:$0x3FB8] =	sst s10  }
0x35: {  	s10 =	sld [smem:$0x3FB7];
	_ =	sdelay $0x3  }
0x36: {  	p1 =	seq.s32 s10, $0x1;
	s10 =	sld [smem:$0x3FB8];
	_ =	sdelay $0x3  }
0x37: {  	[smem:$0x3FB8] =	sst s10  }
0x38: {  	s10 =	sld [smem:$0x3FB9]  }
0x39: {  	_ = 	snop;
	(pc) =	sbr.ind lr, $3  }
0x3a: {  	_ = 	snop  }
0x3b: {  	_ = 	snop  }
0x3c: {  	p2 =	seq.s32 s10, $0x1;
	s10 =	sld [smem:$0x3FB8]  }
0x3d: {  	_ =	shalt  }
0x3e: {  	_ =	shalt  }
0x3f: {  	_ =	shalt  }
0x40: {  	_ =	shalt  }
0x41: {  	_ =	shalt  }
0x42: {  	_ =	shalt  }
0x43: {  	_ =	shalt  }
0x44: {  	_ =	shalt  }
0x45: {  	_ =	shalt  }
0x46: {  	_ =	shalt  }
0x47: {  	_ =	shalt  }
0x48: {  	_ =	shalt  }
0x49: {  	_ =	shalt  }
0x4a: {  	_ =	shalt  }
0x4b: {  	_ =	shalt  }
0x4c: {  	_ =	shalt  }
0x4d: {  	_ =	shalt  }
0x4e: {  	_ =	shalt  }
0x4f: {  	_ =	shalt  }
0x50: {  	_ =	shalt  }
0x51: {  	_ =	shalt  }
0x52: {  	_ =	shalt  }
0x53: {  	_ =	shalt  }
0x54: {  	_ =	shalt  }
0x55: {  	_ =	shalt  }
0x56: {  	_ =	shalt  }
0x57: {  	_ =	shalt  }
0x58: {  	_ =	shalt  }
0x59: {  	_ =	shalt  }
0x5a: {  	_ =	shalt  }
0x5b: {  	_ =	shalt  }
0x5c: {  	_ =	shalt  }
0x5d: {  	_ =	shalt  }
0x5e: {  	_ =	shalt  }
0x5f: {  	_ =	shalt  }
0x60: {  	_ =	shalt  }
0x61: {  	_ =	shalt  }
0x62: {  	_ =	shalt  }
0x63: {  	_ =	shalt  }
0x64: {  	_ =	shalt  }
0x65: {  	_ =	shalt  }
0x66: {  	_ =	shalt  }
0x67: {  	_ =	shalt  }
0x68: {  	_ =	shalt  }
0x69: {  	_ =	shalt  }
0x6a: {  	_ =	shalt  }
0x6b: {  	_ =	shalt  }
0x6c: {  	_ =	shalt  }
0x6d: {  	_ =	shalt  }
0x6e: {  	_ =	shalt  }
0x6f: {  	_ =	shalt  }
0x70: {  	_ =	shalt  }
0x71: {  	_ =	shalt  }
0x72: {  	_ =	shalt  }
0x73: {  	_ =	shalt  }
0x74: {  	_ =	shalt  }
0x75: {  	_ =	shalt  }
0x76: {  	_ =	shalt  }
0x77: {  	_ =	shalt  }
0x78: {  	_ =	shalt  }
0x79: {  	_ =	shalt  }
0x7a: {  	_ =	shalt  }
0x7b: {  	_ =	shalt  }
0x7c: {  	_ =	shalt  }
0x7d: {  	_ =	shalt  }
0x7e: {  	_ =	shalt  }
0x7f: {  	_ =	shalt  }
0x80: {  	_ =	shalt  }
0x81: {  	_ =	shalt  }
0x82: {  	_ =	shalt  }
0x83: {  	_ =	shalt  }
0x84: {  	_ =	shalt  }
0x85: {  	_ =	shalt  }
0x86: {  	_ =	shalt  }
0x87: {  	_ =	shalt  }
.Lfunc_end0:
.L_simem_size_0:
called_computation_lowered:
.L_overlay_start_0:
0x88: {  	s2 =	sld [smem:$0x3FD9]  }
0x89: {  	s3 =	sld [smem:$0x3FFE];
	_ =	sdelay $0x1  }
0x8a: {  	s1 =	srdreg.scid  }
0x8b: {  	s0 =	sand.u32 $0x1, s1  }
0x8c: {  	s17 =	sshll.u32 s0, $0xA;
	s2 =	sadd.s32 s3, s2  }
0x8d: {  	s2 =	sadd.s32 s2, s17  }
0x8e: {  	[smem:$0x3FC4] =	sst s2  }
0x8f: {  	_ = 	snop  }
0x90: {  	s2 =	sld [smem:$0x3FC9]  }
0x91: {  	s18 =	sld [smem:$0x3FD0];
	(tm) =	ssettm $0x1  }
0x92: {  	s4 =	sld [smem:$0x3FFB];
	_ =	sdelay $0x3  }
0x93: {  	_ =	strace s4  }
0x94: {  	s4 =	sld [smem:$0x3FFC];
	_ =	sdelay $0x3  }
0x95: {  	_ =	strace s4  }
0x96: {  	s4 =	sld [smem:$0x3FFD];
	_ =	sdelay $0x3  }
0x97: {  	_ =	strace s4  }
0x98: {  	_ =	strace $0x8FFFFFFF  }
0x99: {  	s19 =	sld [smem:$0x3FDB];
	_ =	sdelay $0x1  }
0x9a: {  	s5 =	simm.s32 $_scs_section_size  }
0x9b: {  	s6 =	simm.s32 $_size__tile_overlayer_lowered;
	s7 =	simm.s32 $_tile_overlayer_lowered  }
0x9c: {  	s22 =	simm.s32 $0x1BFF;
	s21 =	sshll.u32 s7, $0x1;
	s4 =	sadd.s32 s5, s19  }
0x9d: {  	s8 =	simm.s32 $0x0;
	s20 =	sshll.u32 s6, $0x1;
	s6 =	sadd.s32 s21, s4  }
0x9e: {  	[timem:s8], [sflag:s22] =	dma.local [hbm:s6], s20  }
0x9f: {  	_ =	swait.ge [sflag:s22], s20  }
0xa0: {  	s5 =	ssub.s32 $0x0, s20;
	[sflag:s22] =	ssyncset.done $0x0  }
0xa1: {  	[sflag:s22] =	ssyncadd.s32 s5;
	_ =	sdelay $0x1  }
0xa2: {  	s23 =	simm.s32 $0x1B8B  }
0xa3: {  	_ =	swait.ge [sflag:s23], $0x1  }
0xa4: {  	[sflag:s23] =	ssyncset.done $0x0  }
0xa5: {  	s25 =	simm.s32 $0x1B8E;
	s24 =	sld [smem:$0x3FFE];
	[sflag:s23] =	ssyncadd.s32 $0xFFFFFFFF  }
0xa6: {  	s26 =	simm.s32 $execute0_lowered;
	[smem:$0x3FD2] =	sst s25  }
0xa7: {  	s6 =	sshll.u32 s26, $0x1;
	_ =	strace $0x80000046;
	[dreg:$0x1] =	wrdreg $0xFFFFFFFF  }
0xa8: {  	s28 =	simm.s32 $_size_execute0_lowered;
	s4 =	sadd.s32 s4, s6;
	[dreg:$0x0] =	wrdreg $0x0  }
0xa9: {  	s6 =	sshll.u32 s28, $0x1;
	[dreg:$0x2] =	wrdreg s4  }
0xaa: {  	[dreg:$0x3] =	wrdreg s6  }
0xab: {  	[dreg:$0x4] =	wrdreg $0xC0  }
0xac: {  	_ =	task [dreg:s8], $0x5FFFF  }
0xad: {  	[dreg:$0x1] =	wrdreg $0xFFFFFFFF  }
0xae: {  	[dreg:$0x0] =	wrdreg $0x60  }
0xaf: {  	[dreg:$0x2] =	wrdreg s24  }
0xb0: {  	[dreg:$0x3] =	wrdreg s2  }
0xb1: {  	[dreg:$0x4] =	wrdreg s18  }
0xb2: {  	[dreg:$0x5] =	wrdreg $0x9  }
0xb3: {  	_ =	task.clear_ibuf [dreg:s8], $0x6FFFF;
	_ =	strace $0x90000046  }
0xb4: {  	s29 =	simm.s32 $0x9;
	_ =	strace $0x80000048  }
0xb5: {  	_ =	swait.ge [sflag:s29], $0x1  }
0xb6: {  	[sflag:s29] =	ssyncadd.s32 $0xFFFFFFFF  }
0xb7: {  	_ =	strace $0x90000048  }
0xb8: {  	_ =	sfence  }
0xb9: {  	s30 =	sld [smem:$0x0];
	_ =	sdelay $0x2  }
0xba: {  	s31 =	sshll.u32 s1, $0xD;
	s1 =	sshrl.u32 s1, $0x2  }
0xbb: {  	s3 =	sand.u32 $0x4000, s31;
	s1 =	sadd.s32 s1, s30  }
0xbc: {  	s0 =	sor.u32 s3, s0;
	s1 =	sshll.u32 s1, $0x11  }
0xbd: {  	s0 =	sor.u32 s1, s0  }
0xbe: {  	s0 =	sadd.s32 $0x8F2B, s0  }
0xbf: {  	[sflag:s0] =	ssyncadd.remote.s32 $0x1  }
0xc0: {  	_ =	sfence.sel $0xFFFF  }
0xc1: {  	[dreg:$0x0] =	wrdreg $0xFFFFFFFF;
	(pc) =	sbr.abs _section_cstart, $3  }
0xc2: {  	[dreg:$0x1] =	wrdreg $0xFFFFFFFF  }
0xc3: {  	_ =	task.clear_ibuf [dreg:s8], $0x2FFFF;
	_ =	strace $0x9FFFFFFF  }
0xc4: {  	(tm) =	ssettm $0x7FFFFFFF  }
0xc5: {  	_ =	shalt  }
tec
execute0_lowered:
.L_overlay_start_1:
0x0: {  	(tag) =	ssettag $0x1  }
0x1: {  	s0 =	rddreg [dreg:$0x0]  }
0x2: {  	s1 =	rddreg [dreg:$0x1]  }
0x3: {  	s3 =	rddreg [dreg:$0x2];
	s2 =	srdreg.scid  }
0x4: {  	s6 =	stileid.u32;
	s30 =	simm.s32 $0x80;
	s31 =	simm.s32 $0x200  }
0x5: {  	s5 =	sand.u32 $0x1, s2;
	s4 =	sshll.u32 s6, $0x1;
	s6 =	sshll.u32 s6, $0x2  }
0x6: {  	s2 =	simm.s32 $0x0;
	s4 =	sor.u32 s5, s4;
	s6 =	sand.u32 $0x30, s6  }
0x7: {  	[smem:$0x7FF] =	sst s2;
	s7 =	sshll.u32 s4, $0x7;
	s1 =	sadd.s32 s1, s6  }
0x8: {  	s4 =	sshll.u32 s4, $0x10;
	_ =	strace $0x80000047;
	[dreg:$0x14] =	wrdreg s30  }
0x9: {  	[dreg:$0x15] =	wrdreg s31;
	s7 =	sand.u32 $0x380, s7;
	s10 =	sadd.s32 s3, s4  }
0xa: {  	s1 =	sadd.s32 s7, s1;
	[dreg:$0x16] =	wrdreg s10  }
0xb: {  	s13 =	sadd.s32 $0x1000, s10;
	[dreg:$0x4] =	wrdreg s1  }
0xc: {  	s14 =	sadd.s32 $0x2000, s10;
	[dreg:$0x5] =	wrdreg s13  }
0xd: {  	s15 =	sadd.s32 $0x3000, s10;
	[dreg:$0x6] =	wrdreg s14  }
0xe: {  	s16 =	sadd.s32 $0x4000, s10;
	[dreg:$0x7] =	wrdreg s15  }
0xf: {  	s8 =	sadd.s32 $0xC00, s0;
	s17 =	sadd.s32 $0x5000, s10;
	[dreg:$0x8] =	wrdreg s16  }
0x10: {  	s9 =	sadd.s32 $0xD00, s0;
	s18 =	sadd.s32 $0x6000, s10;
	[dreg:$0x9] =	wrdreg s17  }
0x11: {  	s11 =	sadd.s32 $0xF00, s0;
	s19 =	sadd.s32 $0x7000, s10;
	[dreg:$0xa] =	wrdreg s18  }
0x12: {  	s20 =	ssub.s32 $0x2, s5;
	s21 =	sadd.s32 $0x8000, s10;
	[dreg:$0xb] =	wrdreg s19  }
0x13: {  	s5 =	sshrl.u32 s20, $0x1;
	s22 =	sadd.s32 $0x9000, s10;
	[dreg:$0xc] =	wrdreg s21  }
0x14: {  	s6 =	sadd.s32 $0xA00, s0;
	s23 =	sadd.s32 $0xA000, s10;
	[dreg:$0xd] =	wrdreg s22  }
0x15: {  	s4 =	sadd.s32 $0x800, s0;
	s24 =	sadd.s32 $0xB000, s10;
	[dreg:$0xe] =	wrdreg s23  }
0x16: {  	s3 =	ssub.s32 s20, s5;
	s25 =	sadd.s32 $0xC000, s10;
	[dreg:$0xf] =	wrdreg s24  }
0x17: {  	s5 =	sadd.s32 $0x900, s0;
	s26 =	sadd.s32 $0xD000, s10;
	[dreg:$0x10] =	wrdreg s25  }
0x18: {  	s7 =	sadd.s32 $0xB00, s0;
	s28 =	sadd.s32 $0xE000, s10;
	[dreg:$0x11] =	wrdreg s26  }
0x19: {  	v2 =	vlaneseq.u32;
	s29 =	sadd.s32 $0xF000, s10;
	s10 =	sadd.s32 $0xE00, s0;
	[dreg:$0x12] =	wrdreg s28  }
0x1a: {  	vm0 =	vmmov $0xffff;
	v1 =	vshrl.u32 v2, $0x3;
	s12 =	smax.u32 s3, $0x1;
	s3 =	simm.s32 $0x1;
	[dreg:$0x13] =	wrdreg s29  }
0x1b: {  	v0 =	vand.u32 $0x7, v2;
	v2 =	vor.u32 $0x8, v2;
	v1 =	vmul.u32 $0x8, v1;
	s13 =	simm.s32 $0x4;
	s1 =	simm.s32 $0x2;
	s15 =	simm.s32 $0x3  }
.LBB2_1:
0x1c: {  	s16 =	rddreg [dreg:$0x4]  }
0x1d: {  	s17 =	rddreg [dreg:$0x14]  }
0x1e: {  	s18 =	rddreg [dreg:$0x15]  }
0x1f: {  	[tilespmem:s2], [sflag:$0x4] =	stream.strided.gather [hbm4b:s16+s17], $0x100, s18, s17, $0x38;
	[tilespmem:$0x18100] =	vst v63  }
0x20: {  	_ =	swait.ge [sflag:s13], $0x100  }
0x21: {  	[sflag:s13] =	ssyncset.done $0x0  }
0x22: {  	[sflag:s13] =	ssyncadd.s32 $0xFFFFFF00  }
0x23: {  	v3 =	vld [tilespmem:$0x0];
	_ =	sdelay $0x4  }
0x24: {  	v4 =	vshll.u32 v3, $0x4  }
0x25: {  	v3 =	vand.u32 $0x7, v3;
	v4 =	vand.u32 $0xFFFFFF80, v4  }
0x26: {  	v3 =	vor.u32 v3, v4  }
0x27: {  	v4 =	vperm.xlane v3, v0;
	_ =	sdelay $0x1  }
0x28: {  	v4 =	vadd.s32 v1, v4;
	_ =	sdelay $0x3  }
0x29: {  	s0 =	simm.s32 $0x100  }
0x2a: {  	[tilespmem:s0], [sflag:$0x1] =	stream.indirect_vreg.gather [hbm4b:s4+s2], $0x80, v4, vm0, $0xb8;
	[tilespmem:$0x18100] =	vst v63  }
0x2b: {  	s31 =	simm.s32 $0x900  }
0x2c: {  	[tilespmem:s31], [sflag:$0x1] =	stream.indirect_vreg.gather [hbm4b:s5+s2], $0x80, v4, vm0, $0xb8;
	[tilespmem:$0x18100] =	vst v63  }
0x2d: {  	s0 =	simm.s32 $0x1100  }
0x2e: {  	[tilespmem:s0], [sflag:$0x1] =	stream.indirect_vreg.gather [hbm4b:s6+s2], $0x80, v4, vm0, $0xb8;
	[tilespmem:$0x18100] =	vst v63  }
0x2f: {  	s14 =	simm.s32 $0x1900  }
0x30: {  	[tilespmem:s14], [sflag:$0x1] =	stream.indirect_vreg.gather [hbm4b:s7+s2], $0x80, v4, vm0, $0xb8;
	[tilespmem:$0x18100] =	vst v63  }
0x31: {  	s18 =	simm.s32 $0x2100  }
0x32: {  	[tilespmem:s18], [sflag:$0x1] =	stream.indirect_vreg.gather [hbm4b:s8+s2], $0x80, v4, vm0, $0xb8;
	[tilespmem:$0x18100] =	vst v63  }
0x33: {  	s19 =	simm.s32 $0x2900;
	v3 =	vperm.xlane v3, v2  }
0x34: {  	[tilespmem:s19], [sflag:$0x1] =	stream.indirect_vreg.gather [hbm4b:s9+s2], $0x80, v4, vm0, $0xb8;
	[tilespmem:$0x18100] =	vst v63  }
0x35: {  	s21 =	simm.s32 $0x3100;
	v3 =	vadd.s32 v1, v3  }
0x36: {  	[tilespmem:s21], [sflag:$0x1] =	stream.indirect_vreg.gather [hbm4b:s10+s2], $0x80, v4, vm0, $0xb8;
	[tilespmem:$0x18100] =	vst v63  }
0x37: {  	s22 =	simm.s32 $0x3900  }
0x38: {  	[tilespmem:s22], [sflag:$0x1] =	stream.indirect_vreg.gather [hbm4b:s11+s2], $0x80, v4, vm0, $0xb8;
	[tilespmem:$0x18100] =	vst v63  }
0x39: {  	s23 =	simm.s32 $0x4100  }
0x3a: {  	[tilespmem:s23], [sflag:$0x1] =	stream.indirect_vreg.gather [hbm4b:s4+s2], $0x80, v3, vm0, $0xb8;
	[tilespmem:$0x18100] =	vst v63  }
0x3b: {  	s24 =	simm.s32 $0x4900  }
0x3c: {  	[tilespmem:s24], [sflag:$0x1] =	stream.indirect_vreg.gather [hbm4b:s5+s2], $0x80, v3, vm0, $0xb8;
	[tilespmem:$0x18100] =	vst v63  }
0x3d: {  	s25 =	simm.s32 $0x5100  }
0x3e: {  	[tilespmem:s25], [sflag:$0x1] =	stream.indirect_vreg.gather [hbm4b:s6+s2], $0x80, v3, vm0, $0xb8;
	[tilespmem:$0x18100] =	vst v63  }
0x3f: {  	s26 =	simm.s32 $0x5900  }
0x40: {  	[tilespmem:s26], [sflag:$0x1] =	stream.indirect_vreg.gather [hbm4b:s7+s2], $0x80, v3, vm0, $0xb8;
	[tilespmem:$0x18100] =	vst v63  }
0x41: {  	s28 =	simm.s32 $0x6100  }
0x42: {  	[tilespmem:s28], [sflag:$0x1] =	stream.indirect_vreg.gather [hbm4b:s8+s2], $0x80, v3, vm0, $0xb8;
	[tilespmem:$0x18100] =	vst v63  }
0x43: {  	s29 =	simm.s32 $0x6900  }
0x44: {  	[tilespmem:s29], [sflag:$0x1] =	stream.indirect_vreg.gather [hbm4b:s9+s2], $0x80, v3, vm0, $0xb8;
	[tilespmem:$0x18100] =	vst v63  }
0x45: {  	s31 =	simm.s32 $0x7100  }
0x46: {  	[tilespmem:s31], [sflag:$0x1] =	stream.indirect_vreg.gather [hbm4b:s10+s2], $0x80, v3, vm0, $0xb8;
	[tilespmem:$0x18100] =	vst v63  }
0x47: {  	s14 =	simm.s32 $0x7900  }
0x48: {  	[tilespmem:s14], [sflag:$0x1] =	stream.indirect_vreg.gather [hbm4b:s11+s2], $0x80, v3, vm0, $0xb8;
	[tilespmem:$0x18100] =	vst v63  }
0x49: {  	v3 =	vld [tilespmem:$0x10];
	_ =	sdelay $0x4  }
0x4a: {  	v49 =	vshll.u32 v3, $0x4  }
0x4b: {  	v3 =	vand.u32 $0x7, v3;
	v4 =	vand.u32 $0xFFFFFF80, v49  }
0x4c: {  	v3 =	vor.u32 v3, v4  }
0x4d: {  	v4 =	vperm.xlane v3, v0;
	_ =	sdelay $0x1  }
0x4e: {  	v4 =	vadd.s32 v1, v4;
	_ =	sdelay $0x3  }
0x4f: {  	s14 =	simm.s32 $0x8100  }
0x50: {  	[tilespmem:s14], [sflag:$0x2] =	stream.indirect_vreg.gather [hbm4b:s4+s2], $0x80, v4, vm0, $0xb8;
	[tilespmem:$0x18100] =	vst v63  }
0x51: {  	s18 =	simm.s32 $0x8900  }
0x52: {  	[tilespmem:s18], [sflag:$0x2] =	stream.indirect_vreg.gather [hbm4b:s5+s2], $0x80, v4, vm0, $0xb8;
	[tilespmem:$0x18100] =	vst v63  }
0x53: {  	s16 =	simm.s32 $0x9100  }
0x54: {  	[tilespmem:s16], [sflag:$0x2] =	stream.indirect_vreg.gather [hbm4b:s6+s2], $0x80, v4, vm0, $0xb8;
	[tilespmem:$0x18100] =	vst v63  }
0x55: {  	s18 =	simm.s32 $0x9900  }
0x56: {  	[tilespmem:s18], [sflag:$0x2] =	stream.indirect_vreg.gather [hbm4b:s7+s2], $0x80, v4, vm0, $0xb8;
	[tilespmem:$0x18100] =	vst v63  }
0x57: {  	s16 =	simm.s32 $0xA100  }
0x58: {  	[tilespmem:s16], [sflag:$0x2] =	stream.indirect_vreg.gather [hbm4b:s8+s2], $0x80, v4, vm0, $0xb8;
	[tilespmem:$0x18100] =	vst v63  }
0x59: {  	v3 =	vperm.xlane v3, v2;
	s18 =	simm.s32 $0xA900  }
0x5a: {  	[tilespmem:s18], [sflag:$0x2] =	stream.indirect_vreg.gather [hbm4b:s9+s2], $0x80, v4, vm0, $0xb8;
	[tilespmem:$0x18100] =	vst v63  }
0x5b: {  	v3 =	vadd.s32 v1, v3;
	s16 =	simm.s32 $0xB100  }
0x5c: {  	[tilespmem:s16], [sflag:$0x2] =	stream.indirect_vreg.gather [hbm4b:s10+s2], $0x80, v4, vm0, $0xb8;
	[tilespmem:$0x18100] =	vst v63  }
0x5d: {  	s18 =	simm.s32 $0xB900  }
0x5e: {  	[tilespmem:s18], [sflag:$0x2] =	stream.indirect_vreg.gather [hbm4b:s11+s2], $0x80, v4, vm0, $0xb8;
	[tilespmem:$0x18100] =	vst v63  }
0x5f: {  	s16 =	simm.s32 $0xC100  }
0x60: {  	[tilespmem:s16], [sflag:$0x2] =	stream.indirect_vreg.gather [hbm4b:s4+s2], $0x80, v3, vm0, $0xb8;
	[tilespmem:$0x18100] =	vst v63  }
0x61: {  	s18 =	simm.s32 $0xC900  }
0x62: {  	[tilespmem:s18], [sflag:$0x2] =	stream.indirect_vreg.gather [hbm4b:s5+s2], $0x80, v3, vm0, $0xb8;
	[tilespmem:$0x18100] =	vst v63  }
0x63: {  	s16 =	simm.s32 $0xD100  }
0x64: {  	[tilespmem:s16], [sflag:$0x2] =	stream.indirect_vreg.gather [hbm4b:s6+s2], $0x80, v3, vm0, $0xb8;
	[tilespmem:$0x18100] =	vst v63  }
0x65: {  	s18 =	simm.s32 $0xD900  }
0x66: {  	[tilespmem:s18], [sflag:$0x2] =	stream.indirect_vreg.gather [hbm4b:s7+s2], $0x80, v3, vm0, $0xb8;
	[tilespmem:$0x18100] =	vst v63  }
0x67: {  	s16 =	simm.s32 $0xE100  }
0x68: {  	[tilespmem:s16], [sflag:$0x2] =	stream.indirect_vreg.gather [hbm4b:s8+s2], $0x80, v3, vm0, $0xb8;
	[tilespmem:$0x18100] =	vst v63  }
0x69: {  	s18 =	simm.s32 $0xE900  }
0x6a: {  	[tilespmem:s18], [sflag:$0x2] =	stream.indirect_vreg.gather [hbm4b:s9+s2], $0x80, v3, vm0, $0xb8;
	[tilespmem:$0x18100] =	vst v63  }
0x6b: {  	s16 =	simm.s32 $0xF100  }
0x6c: {  	[tilespmem:s16], [sflag:$0x2] =	stream.indirect_vreg.gather [hbm4b:s10+s2], $0x80, v3, vm0, $0xb8;
	[tilespmem:$0x18100] =	vst v63  }
0x6d: {  	s18 =	simm.s32 $0xF900  }
0x6e: {  	[tilespmem:s18], [sflag:$0x2] =	stream.indirect_vreg.gather [hbm4b:s11+s2], $0x80, v3, vm0, $0xb8;
	[tilespmem:$0x18100] =	vst v63  }
0x6f: {  	v3 =	vld [tilespmem:$0x20];
	_ =	sdelay $0x4  }
0x70: {  	v50 =	vshll.u32 v3, $0x4  }
0x71: {  	v3 =	vand.u32 $0x7, v3;
	v4 =	vand.u32 $0xFFFFFF80, v50  }
0x72: {  	v3 =	vor.u32 v3, v4  }
0x73: {  	v4 =	vperm.xlane v3, v0;
	_ =	sdelay $0x1  }
0x74: {  	v4 =	vadd.s32 v1, v4;
	_ =	sdelay $0x3  }
0x75: {  	s16 =	simm.s32 $0x10100  }
0x76: {  	[tilespmem:s16], [sflag:$0x3] =	stream.indirect_vreg.gather [hbm4b:s4+s2], $0x80, v4, vm0, $0xb8;
	[tilespmem:$0x18100] =	vst v63  }
0x77: {  	s18 =	simm.s32 $0x10900  }
0x78: {  	[tilespmem:s18], [sflag:$0x3] =	stream.indirect_vreg.gather [hbm4b:s5+s2], $0x80, v4, vm0, $0xb8;
	[tilespmem:$0x18100] =	vst v63  }
0x79: {  	s14 =	simm.s32 $0x11100  }
0x7a: {  	[tilespmem:s14], [sflag:$0x3] =	stream.indirect_vreg.gather [hbm4b:s6+s2], $0x80, v4, vm0, $0xb8;
	[tilespmem:$0x18100] =	vst v63  }
0x7b: {  	s18 =	simm.s32 $0x11900  }
0x7c: {  	[tilespmem:s18], [sflag:$0x3] =	stream.indirect_vreg.gather [hbm4b:s7+s2], $0x80, v4, vm0, $0xb8;
	[tilespmem:$0x18100] =	vst v63  }
0x7d: {  	s14 =	simm.s32 $0x12100  }
0x7e: {  	[tilespmem:s14], [sflag:$0x3] =	stream.indirect_vreg.gather [hbm4b:s8+s2], $0x80, v4, vm0, $0xb8;
	[tilespmem:$0x18100] =	vst v63  }
0x7f: {  	v3 =	vperm.xlane v3, v2;
	s18 =	simm.s32 $0x12900  }
0x80: {  	[tilespmem:s18], [sflag:$0x3] =	stream.indirect_vreg.gather [hbm4b:s9+s2], $0x80, v4, vm0, $0xb8;
	[tilespmem:$0x18100] =	vst v63  }
0x81: {  	v3 =	vadd.s32 v1, v3;
	s14 =	simm.s32 $0x13100  }
0x82: {  	[tilespmem:s14], [sflag:$0x3] =	stream.indirect_vreg.gather [hbm4b:s10+s2], $0x80, v4, vm0, $0xb8;
	[tilespmem:$0x18100] =	vst v63  }
0x83: {  	s18 =	simm.s32 $0x13900  }
0x84: {  	[tilespmem:s18], [sflag:$0x3] =	stream.indirect_vreg.gather [hbm4b:s11+s2], $0x80, v4, vm0, $0xb8;
	[tilespmem:$0x18100] =	vst v63  }
0x85: {  	s14 =	simm.s32 $0x14100  }
0x86: {  	[tilespmem:s14], [sflag:$0x3] =	stream.indirect_vreg.gather [hbm4b:s4+s2], $0x80, v3, vm0, $0xb8;
	[tilespmem:$0x18100] =	vst v63  }
0x87: {  	s18 =	simm.s32 $0x14900  }
0x88: {  	[tilespmem:s18], [sflag:$0x3] =	stream.indirect_vreg.gather [hbm4b:s5+s2], $0x80, v3, vm0, $0xb8;
	[tilespmem:$0x18100] =	vst v63  }
0x89: {  	s14 =	simm.s32 $0x15100  }
0x8a: {  	[tilespmem:s14], [sflag:$0x3] =	stream.indirect_vreg.gather [hbm4b:s6+s2], $0x80, v3, vm0, $0xb8;
	[tilespmem:$0x18100] =	vst v63  }
0x8b: {  	s18 =	simm.s32 $0x15900  }
0x8c: {  	[tilespmem:s18], [sflag:$0x3] =	stream.indirect_vreg.gather [hbm4b:s7+s2], $0x80, v3, vm0, $0xb8;
	[tilespmem:$0x18100] =	vst v63  }
0x8d: {  	s14 =	simm.s32 $0x16100  }
0x8e: {  	[tilespmem:s14], [sflag:$0x3] =	stream.indirect_vreg.gather [hbm4b:s8+s2], $0x80, v3, vm0, $0xb8;
	[tilespmem:$0x18100] =	vst v63  }
0x8f: {  	s18 =	simm.s32 $0x16900  }
0x90: {  	[tilespmem:s18], [sflag:$0x3] =	stream.indirect_vreg.gather [hbm4b:s9+s2], $0x80, v3, vm0, $0xb8;
	[tilespmem:$0x18100] =	vst v63  }
0x91: {  	s14 =	simm.s32 $0x17100  }
0x92: {  	[tilespmem:s14], [sflag:$0x3] =	stream.indirect_vreg.gather [hbm4b:s10+s2], $0x80, v3, vm0, $0xb8;
	[tilespmem:$0x18100] =	vst v63  }
0x93: {  	s18 =	simm.s32 $0x17900  }
0x94: {  	[tilespmem:s18], [sflag:$0x3] =	stream.indirect_vreg.gather [hbm4b:s11+s2], $0x80, v3, vm0, $0xb8;
	[tilespmem:$0x18100] =	vst v63  }
0x95: {  	_ =	swait.ge [sflag:s3], $0x8000  }
0x96: {  	[sflag:s3] =	ssyncset.done $0x0  }
0x97: {  	s18 =	simm.s32 $0x100;
	s14 =	rddreg [dreg:$0x16];
	[sflag:s3] =	ssyncadd.s32 $0xFFFF8000  }
0x98: {  	[hbm4b:s14+s2] =	stream.linear.scatter [tilespmem:s18], [sflag:$0x4], $0x8000, $0x38;
	[tilespmem:$0x18100] =	vst v63  }
0x99: {  	_ =	swait.ge [sflag:s13], $0x8000  }
0x9a: {  	[sflag:s13] =	ssyncset.done $0x0  }
0x9b: {  	[sflag:s13] =	ssyncadd.s32 $0xFFFF8000  }
0x9c: {  	v3 =	vld [tilespmem:$0x30];
	_ =	sdelay $0x4  }
0x9d: {  	v51 =	vshll.u32 v3, $0x4  }
0x9e: {  	v3 =	vand.u32 $0x7, v3;
	v4 =	vand.u32 $0xFFFFFF80, v51  }
0x9f: {  	v3 =	vor.u32 v3, v4  }
0xa0: {  	v4 =	vperm.xlane v3, v0;
	_ =	sdelay $0x1  }
0xa1: {  	v4 =	vadd.s32 v1, v4;
	_ =	sdelay $0x4  }
0xa2: {  	[tilespmem:s18], [sflag:$0x1] =	stream.indirect_vreg.gather [hbm4b:s4+s2], $0x80, v4, vm0, $0xb8;
	[tilespmem:$0x18100] =	vst v63  }
0xa3: {  	s30 =	simm.s32 $0x900  }
0xa4: {  	[tilespmem:s30], [sflag:$0x1] =	stream.indirect_vreg.gather [hbm4b:s5+s2], $0x80, v4, vm0, $0xb8;
	[tilespmem:$0x18100] =	vst v63  }
0xa5: {  	s17 =	simm.s32 $0x1100  }
0xa6: {  	[tilespmem:s17], [sflag:$0x1] =	stream.indirect_vreg.gather [hbm4b:s6+s2], $0x80, v4, vm0, $0xb8;
	[tilespmem:$0x18100] =	vst v63  }
0xa7: {  	s17 =	simm.s32 $0x1900  }
0xa8: {  	[tilespmem:s17], [sflag:$0x1] =	stream.indirect_vreg.gather [hbm4b:s7+s2], $0x80, v4, vm0, $0xb8;
	[tilespmem:$0x18100] =	vst v63  }
0xa9: {  	s20 =	simm.s32 $0x2100  }
0xaa: {  	[tilespmem:s20], [sflag:$0x1] =	stream.indirect_vreg.gather [hbm4b:s8+s2], $0x80, v4, vm0, $0xb8;
	[tilespmem:$0x18100] =	vst v63  }
0xab: {  	s0 =	simm.s32 $0x2900;
	v3 =	vperm.xlane v3, v2  }
0xac: {  	[tilespmem:s0], [sflag:$0x1] =	stream.indirect_vreg.gather [hbm4b:s9+s2], $0x80, v4, vm0, $0xb8;
	[tilespmem:$0x18100] =	vst v63  }
0xad: {  	s19 =	simm.s32 $0x3100;
	v3 =	vadd.s32 v1, v3  }
0xae: {  	[tilespmem:s19], [sflag:$0x1] =	stream.indirect_vreg.gather [hbm4b:s10+s2], $0x80, v4, vm0, $0xb8;
	[tilespmem:$0x18100] =	vst v63  }
0xaf: {  	s21 =	simm.s32 $0x3900  }
0xb0: {  	[tilespmem:s21], [sflag:$0x1] =	stream.indirect_vreg.gather [hbm4b:s11+s2], $0x80, v4, vm0, $0xb8;
	[tilespmem:$0x18100] =	vst v63  }
0xb1: {  	s22 =	simm.s32 $0x4100  }
0xb2: {  	[tilespmem:s22], [sflag:$0x1] =	stream.indirect_vreg.gather [hbm4b:s4+s2], $0x80, v3, vm0, $0xb8;
	[tilespmem:$0x18100] =	vst v63  }
0xb3: {  	s23 =	simm.s32 $0x4900  }
0xb4: {  	[tilespmem:s23], [sflag:$0x1] =	stream.indirect_vreg.gather [hbm4b:s5+s2], $0x80, v3, vm0, $0xb8;
	[tilespmem:$0x18100] =	vst v63  }
0xb5: {  	s24 =	simm.s32 $0x5100  }
0xb6: {  	[tilespmem:s24], [sflag:$0x1] =	stream.indirect_vreg.gather [hbm4b:s6+s2], $0x80, v3, vm0, $0xb8;
	[tilespmem:$0x18100] =	vst v63  }
0xb7: {  	s25 =	simm.s32 $0x5900  }
0xb8: {  	[tilespmem:s25], [sflag:$0x1] =	stream.indirect_vreg.gather [hbm4b:s7+s2], $0x80, v3, vm0, $0xb8;
	[tilespmem:$0x18100] =	vst v63  }
0xb9: {  	s26 =	simm.s32 $0x6100  }
0xba: {  	[tilespmem:s26], [sflag:$0x1] =	stream.indirect_vreg.gather [hbm4b:s8+s2], $0x80, v3, vm0, $0xb8;
	[tilespmem:$0x18100] =	vst v63  }
0xbb: {  	s28 =	simm.s32 $0x6900  }
0xbc: {  	[tilespmem:s28], [sflag:$0x1] =	stream.indirect_vreg.gather [hbm4b:s9+s2], $0x80, v3, vm0, $0xb8;
	[tilespmem:$0x18100] =	vst v63  }
0xbd: {  	s29 =	simm.s32 $0x7100  }
0xbe: {  	[tilespmem:s29], [sflag:$0x1] =	stream.indirect_vreg.gather [hbm4b:s10+s2], $0x80, v3, vm0, $0xb8;
	[tilespmem:$0x18100] =	vst v63  }
0xbf: {  	s31 =	simm.s32 $0x7900  }
0xc0: {  	[tilespmem:s31], [sflag:$0x1] =	stream.indirect_vreg.gather [hbm4b:s11+s2], $0x80, v3, vm0, $0xb8;
	[tilespmem:$0x18100] =	vst v63  }
0xc1: {  	_ =	swait.ge [sflag:s1], $0x8000  }
0xc2: {  	[sflag:s1] =	ssyncset.done $0x0  }
0xc3: {  	s31 =	simm.s32 $0x8100;
	s30 =	rddreg [dreg:$0x5];
	[sflag:s1] =	ssyncadd.s32 $0xFFFF8000  }
0xc4: {  	[hbm4b:s30+s2] =	stream.linear.scatter [tilespmem:s31], [sflag:$0x4], $0x8000, $0x38;
	[tilespmem:$0x18100] =	vst v63  }
0xc5: {  	_ =	swait.ge [sflag:s13], $0x8000  }
0xc6: {  	[sflag:s13] =	ssyncset.done $0x0  }
0xc7: {  	[sflag:s13] =	ssyncadd.s32 $0xFFFF8000  }
0xc8: {  	v3 =	vld [tilespmem:$0x40];
	_ =	sdelay $0x4  }
0xc9: {  	v52 =	vshll.u32 v3, $0x4  }
0xca: {  	v3 =	vand.u32 $0x7, v3;
	v4 =	vand.u32 $0xFFFFFF80, v52  }
0xcb: {  	v3 =	vor.u32 v3, v4  }
0xcc: {  	v4 =	vperm.xlane v3, v0;
	_ =	sdelay $0x1  }
0xcd: {  	v4 =	vadd.s32 v1, v4;
	_ =	sdelay $0x4  }
0xce: {  	[tilespmem:s31], [sflag:$0x2] =	stream.indirect_vreg.gather [hbm4b:s4+s2], $0x80, v4, vm0, $0xb8;
	[tilespmem:$0x18100] =	vst v63  }
0xcf: {  	s19 =	simm.s32 $0x8900  }
0xd0: {  	[tilespmem:s19], [sflag:$0x2] =	stream.indirect_vreg.gather [hbm4b:s5+s2], $0x80, v4, vm0, $0xb8;
	[tilespmem:$0x18100] =	vst v63  }
0xd1: {  	s21 =	simm.s32 $0x9100  }
0xd2: {  	[tilespmem:s21], [sflag:$0x2] =	stream.indirect_vreg.gather [hbm4b:s6+s2], $0x80, v4, vm0, $0xb8;
	[tilespmem:$0x18100] =	vst v63  }
0xd3: {  	s22 =	simm.s32 $0x9900  }
0xd4: {  	[tilespmem:s22], [sflag:$0x2] =	stream.indirect_vreg.gather [hbm4b:s7+s2], $0x80, v4, vm0, $0xb8;
	[tilespmem:$0x18100] =	vst v63  }
0xd5: {  	s14 =	simm.s32 $0xA100  }
0xd6: {  	[tilespmem:s14], [sflag:$0x2] =	stream.indirect_vreg.gather [hbm4b:s8+s2], $0x80, v4, vm0, $0xb8;
	[tilespmem:$0x18100] =	vst v63  }
0xd7: {  	v3 =	vperm.xlane v3, v2;
	s14 =	simm.s32 $0xA900  }
0xd8: {  	[tilespmem:s14], [sflag:$0x2] =	stream.indirect_vreg.gather [hbm4b:s9+s2], $0x80, v4, vm0, $0xb8;
	[tilespmem:$0x18100] =	vst v63  }
0xd9: {  	s23 =	simm.s32 $0xB100;
	v3 =	vadd.s32 v1, v3  }
0xda: {  	[tilespmem:s23], [sflag:$0x2] =	stream.indirect_vreg.gather [hbm4b:s10+s2], $0x80, v4, vm0, $0xb8;
	[tilespmem:$0x18100] =	vst v63  }
0xdb: {  	s24 =	simm.s32 $0xB900  }
0xdc: {  	[tilespmem:s24], [sflag:$0x2] =	stream.indirect_vreg.gather [hbm4b:s11+s2], $0x80, v4, vm0, $0xb8;
	[tilespmem:$0x18100] =	vst v63  }
0xdd: {  	s25 =	simm.s32 $0xC100  }
0xde: {  	[tilespmem:s25], [sflag:$0x2] =	stream.indirect_vreg.gather [hbm4b:s4+s2], $0x80, v3, vm0, $0xb8;
	[tilespmem:$0x18100] =	vst v63  }
0xdf: {  	s26 =	simm.s32 $0xC900  }
0xe0: {  	[tilespmem:s26], [sflag:$0x2] =	stream.indirect_vreg.gather [hbm4b:s5+s2], $0x80, v3, vm0, $0xb8;
	[tilespmem:$0x18100] =	vst v63  }
0xe1: {  	s28 =	simm.s32 $0xD100  }
0xe2: {  	[tilespmem:s28], [sflag:$0x2] =	stream.indirect_vreg.gather [hbm4b:s6+s2], $0x80, v3, vm0, $0xb8;
	[tilespmem:$0x18100] =	vst v63  }
0xe3: {  	s29 =	simm.s32 $0xD900  }
0xe4: {  	[tilespmem:s29], [sflag:$0x2] =	stream.indirect_vreg.gather [hbm4b:s7+s2], $0x80, v3, vm0, $0xb8;
	[tilespmem:$0x18100] =	vst v63  }
0xe5: {  	s30 =	simm.s32 $0xE100  }
0xe6: {  	[tilespmem:s30], [sflag:$0x2] =	stream.indirect_vreg.gather [hbm4b:s8+s2], $0x80, v3, vm0, $0xb8;
	[tilespmem:$0x18100] =	vst v63  }
0xe7: {  	s31 =	simm.s32 $0xE900  }
0xe8: {  	[tilespmem:s31], [sflag:$0x2] =	stream.indirect_vreg.gather [hbm4b:s9+s2], $0x80, v3, vm0, $0xb8;
	[tilespmem:$0x18100] =	vst v63  }
0xe9: {  	s20 =	simm.s32 $0xF100  }
0xea: {  	[tilespmem:s20], [sflag:$0x2] =	stream.indirect_vreg.gather [hbm4b:s10+s2], $0x80, v3, vm0, $0xb8;
	[tilespmem:$0x18100] =	vst v63  }
0xeb: {  	s17 =	simm.s32 $0xF900  }
0xec: {  	[tilespmem:s17], [sflag:$0x2] =	stream.indirect_vreg.gather [hbm4b:s11+s2], $0x80, v3, vm0, $0xb8;
	[tilespmem:$0x18100] =	vst v63  }
0xed: {  	_ =	swait.ge [sflag:s15], $0x8000  }
0xee: {  	[sflag:s15] =	ssyncset.done $0x0  }
0xef: {  	s0 =	simm.s32 $0x10100;
	s16 =	rddreg [dreg:$0x6];
	[sflag:s15] =	ssyncadd.s32 $0xFFFF8000  }
0xf0: {  	[hbm4b:s16+s2] =	stream.linear.scatter [tilespmem:s0], [sflag:$0x4], $0x8000, $0x38;
	[tilespmem:$0x18100] =	vst v63  }
0xf1: {  	_ =	swait.ge [sflag:s13], $0x8000  }
0xf2: {  	[sflag:s13] =	ssyncset.done $0x0  }
0xf3: {  	[sflag:s13] =	ssyncadd.s32 $0xFFFF8000  }
0xf4: {  	v3 =	vld [tilespmem:$0x50];
	_ =	sdelay $0x4  }
0xf5: {  	v53 =	vshll.u32 v3, $0x4  }
0xf6: {  	v3 =	vand.u32 $0x7, v3;
	v4 =	vand.u32 $0xFFFFFF80, v53  }
0xf7: {  	v3 =	vor.u32 v3, v4  }
0xf8: {  	v4 =	vperm.xlane v3, v0;
	_ =	sdelay $0x1  }
0xf9: {  	v4 =	vadd.s32 v1, v4;
	_ =	sdelay $0x4  }
0xfa: {  	[tilespmem:s0], [sflag:$0x3] =	stream.indirect_vreg.gather [hbm4b:s4+s2], $0x80, v4, vm0, $0xb8;
	[tilespmem:$0x18100] =	vst v63  }
0xfb: {  	s16 =	simm.s32 $0x10900  }
0xfc: {  	[tilespmem:s16], [sflag:$0x3] =	stream.indirect_vreg.gather [hbm4b:s5+s2], $0x80, v4, vm0, $0xb8;
	[tilespmem:$0x18100] =	vst v63  }
0xfd: {  	s16 =	simm.s32 $0x11100  }
0xfe: {  	[tilespmem:s16], [sflag:$0x3] =	stream.indirect_vreg.gather [hbm4b:s6+s2], $0x80, v4, vm0, $0xb8;
	[tilespmem:$0x18100] =	vst v63  }
0xff: {  	s16 =	simm.s32 $0x11900  }
0x100: {  	[tilespmem:s16], [sflag:$0x3] =	stream.indirect_vreg.gather [hbm4b:s7+s2], $0x80, v4, vm0, $0xb8;
	[tilespmem:$0x18100] =	vst v63  }
0x101: {  	s16 =	simm.s32 $0x12100  }
0x102: {  	[tilespmem:s16], [sflag:$0x3] =	stream.indirect_vreg.gather [hbm4b:s8+s2], $0x80, v4, vm0, $0xb8;
	[tilespmem:$0x18100] =	vst v63  }
0x103: {  	v3 =	vperm.xlane v3, v2;
	s16 =	simm.s32 $0x12900  }
0x104: {  	[tilespmem:s16], [sflag:$0x3] =	stream.indirect_vreg.gather [hbm4b:s9+s2], $0x80, v4, vm0, $0xb8;
	[tilespmem:$0x18100] =	vst v63  }
0x105: {  	v3 =	vadd.s32 v1, v3;
	s16 =	simm.s32 $0x13100  }
0x106: {  	[tilespmem:s16], [sflag:$0x3] =	stream.indirect_vreg.gather [hbm4b:s10+s2], $0x80, v4, vm0, $0xb8;
	[tilespmem:$0x18100] =	vst v63  }
0x107: {  	s16 =	simm.s32 $0x13900  }
0x108: {  	[tilespmem:s16], [sflag:$0x3] =	stream.indirect_vreg.gather [hbm4b:s11+s2], $0x80, v4, vm0, $0xb8;
	[tilespmem:$0x18100] =	vst v63  }
0x109: {  	s16 =	simm.s32 $0x14100  }
0x10a: {  	[tilespmem:s16], [sflag:$0x3] =	stream.indirect_vreg.gather [hbm4b:s4+s2], $0x80, v3, vm0, $0xb8;
	[tilespmem:$0x18100] =	vst v63  }
0x10b: {  	s16 =	simm.s32 $0x14900  }
0x10c: {  	[tilespmem:s16], [sflag:$0x3] =	stream.indirect_vreg.gather [hbm4b:s5+s2], $0x80, v3, vm0, $0xb8;
	[tilespmem:$0x18100] =	vst v63  }
0x10d: {  	s16 =	simm.s32 $0x15100  }
0x10e: {  	[tilespmem:s16], [sflag:$0x3] =	stream.indirect_vreg.gather [hbm4b:s6+s2], $0x80, v3, vm0, $0xb8;
	[tilespmem:$0x18100] =	vst v63  }
0x10f: {  	s16 =	simm.s32 $0x15900  }
0x110: {  	[tilespmem:s16], [sflag:$0x3] =	stream.indirect_vreg.gather [hbm4b:s7+s2], $0x80, v3, vm0, $0xb8;
	[tilespmem:$0x18100] =	vst v63  }
0x111: {  	s16 =	simm.s32 $0x16100  }
0x112: {  	[tilespmem:s16], [sflag:$0x3] =	stream.indirect_vreg.gather [hbm4b:s8+s2], $0x80, v3, vm0, $0xb8;
	[tilespmem:$0x18100] =	vst v63  }
0x113: {  	s16 =	simm.s32 $0x16900  }
0x114: {  	[tilespmem:s16], [sflag:$0x3] =	stream.indirect_vreg.gather [hbm4b:s9+s2], $0x80, v3, vm0, $0xb8;
	[tilespmem:$0x18100] =	vst v63  }
0x115: {  	s16 =	simm.s32 $0x17100  }
0x116: {  	[tilespmem:s16], [sflag:$0x3] =	stream.indirect_vreg.gather [hbm4b:s10+s2], $0x80, v3, vm0, $0xb8;
	[tilespmem:$0x18100] =	vst v63  }
0x117: {  	s16 =	simm.s32 $0x17900  }
0x118: {  	[tilespmem:s16], [sflag:$0x3] =	stream.indirect_vreg.gather [hbm4b:s11+s2], $0x80, v3, vm0, $0xb8;
	[tilespmem:$0x18100] =	vst v63  }
0x119: {  	_ =	swait.ge [sflag:s3], $0x8000  }
0x11a: {  	[sflag:s3] =	ssyncset.done $0x0  }
0x11b: {  	s0 =	simm.s32 $0x100;
	s16 =	rddreg [dreg:$0x7];
	[sflag:s3] =	ssyncadd.s32 $0xFFFF8000  }
0x11c: {  	[hbm4b:s16+s2] =	stream.linear.scatter [tilespmem:s0], [sflag:$0x4], $0x8000, $0x38;
	[tilespmem:$0x18100] =	vst v63  }
0x11d: {  	_ =	swait.ge [sflag:s13], $0x8000  }
0x11e: {  	[sflag:s13] =	ssyncset.done $0x0  }
0x11f: {  	[sflag:s13] =	ssyncadd.s32 $0xFFFF8000  }
0x120: {  	v3 =	vld [tilespmem:$0x60];
	_ =	sdelay $0x4  }
0x121: {  	v54 =	vshll.u32 v3, $0x4  }
0x122: {  	v3 =	vand.u32 $0x7, v3;
	v4 =	vand.u32 $0xFFFFFF80, v54  }
0x123: {  	v3 =	vor.u32 v3, v4  }
0x124: {  	v4 =	vperm.xlane v3, v0;
	_ =	sdelay $0x1  }
0x125: {  	v4 =	vadd.s32 v1, v4;
	_ =	sdelay $0x4  }
0x126: {  	[tilespmem:s0], [sflag:$0x1] =	stream.indirect_vreg.gather [hbm4b:s4+s2], $0x80, v4, vm0, $0xb8;
	[tilespmem:$0x18100] =	vst v63  }
0x127: {  	s18 =	simm.s32 $0x900  }
0x128: {  	[tilespmem:s18], [sflag:$0x1] =	stream.indirect_vreg.gather [hbm4b:s5+s2], $0x80, v4, vm0, $0xb8;
	[tilespmem:$0x18100] =	vst v63  }
0x129: {  	s16 =	simm.s32 $0x1100  }
0x12a: {  	[tilespmem:s16], [sflag:$0x1] =	stream.indirect_vreg.gather [hbm4b:s6+s2], $0x80, v4, vm0, $0xb8;
	[tilespmem:$0x18100] =	vst v63  }
0x12b: {  	s18 =	simm.s32 $0x1900  }
0x12c: {  	[tilespmem:s18], [sflag:$0x1] =	stream.indirect_vreg.gather [hbm4b:s7+s2], $0x80, v4, vm0, $0xb8;
	[tilespmem:$0x18100] =	vst v63  }
0x12d: {  	s16 =	simm.s32 $0x2100  }
0x12e: {  	[tilespmem:s16], [sflag:$0x1] =	stream.indirect_vreg.gather [hbm4b:s8+s2], $0x80, v4, vm0, $0xb8;
	[tilespmem:$0x18100] =	vst v63  }
0x12f: {  	v3 =	vperm.xlane v3, v2;
	s18 =	simm.s32 $0x2900  }
0x130: {  	[tilespmem:s18], [sflag:$0x1] =	stream.indirect_vreg.gather [hbm4b:s9+s2], $0x80, v4, vm0, $0xb8;
	[tilespmem:$0x18100] =	vst v63  }
0x131: {  	v3 =	vadd.s32 v1, v3;
	s16 =	simm.s32 $0x3100  }
0x132: {  	[tilespmem:s16], [sflag:$0x1] =	stream.indirect_vreg.gather [hbm4b:s10+s2], $0x80, v4, vm0, $0xb8;
	[tilespmem:$0x18100] =	vst v63  }
0x133: {  	s18 =	simm.s32 $0x3900  }
0x134: {  	[tilespmem:s18], [sflag:$0x1] =	stream.indirect_vreg.gather [hbm4b:s11+s2], $0x80, v4, vm0, $0xb8;
	[tilespmem:$0x18100] =	vst v63  }
0x135: {  	s16 =	simm.s32 $0x4100  }
0x136: {  	[tilespmem:s16], [sflag:$0x1] =	stream.indirect_vreg.gather [hbm4b:s4+s2], $0x80, v3, vm0, $0xb8;
	[tilespmem:$0x18100] =	vst v63  }
0x137: {  	s18 =	simm.s32 $0x4900  }
0x138: {  	[tilespmem:s18], [sflag:$0x1] =	stream.indirect_vreg.gather [hbm4b:s5+s2], $0x80, v3, vm0, $0xb8;
	[tilespmem:$0x18100] =	vst v63  }
0x139: {  	s16 =	simm.s32 $0x5100  }
0x13a: {  	[tilespmem:s16], [sflag:$0x1] =	stream.indirect_vreg.gather [hbm4b:s6+s2], $0x80, v3, vm0, $0xb8;
	[tilespmem:$0x18100] =	vst v63  }
0x13b: {  	s18 =	simm.s32 $0x5900  }
0x13c: {  	[tilespmem:s18], [sflag:$0x1] =	stream.indirect_vreg.gather [hbm4b:s7+s2], $0x80, v3, vm0, $0xb8;
	[tilespmem:$0x18100] =	vst v63  }
0x13d: {  	s16 =	simm.s32 $0x6100  }
0x13e: {  	[tilespmem:s16], [sflag:$0x1] =	stream.indirect_vreg.gather [hbm4b:s8+s2], $0x80, v3, vm0, $0xb8;
	[tilespmem:$0x18100] =	vst v63  }
0x13f: {  	s18 =	simm.s32 $0x6900  }
0x140: {  	[tilespmem:s18], [sflag:$0x1] =	stream.indirect_vreg.gather [hbm4b:s9+s2], $0x80, v3, vm0, $0xb8;
	[tilespmem:$0x18100] =	vst v63  }
0x141: {  	s16 =	simm.s32 $0x7100  }
0x142: {  	[tilespmem:s16], [sflag:$0x1] =	stream.indirect_vreg.gather [hbm4b:s10+s2], $0x80, v3, vm0, $0xb8;
	[tilespmem:$0x18100] =	vst v63  }
0x143: {  	s18 =	simm.s32 $0x7900  }
0x144: {  	[tilespmem:s18], [sflag:$0x1] =	stream.indirect_vreg.gather [hbm4b:s11+s2], $0x80, v3, vm0, $0xb8;
	[tilespmem:$0x18100] =	vst v63  }
0x145: {  	_ =	swait.ge [sflag:s1], $0x8000  }
0x146: {  	[sflag:s1] =	ssyncset.done $0x0  }
0x147: {  	s18 =	simm.s32 $0x8100;
	s0 =	rddreg [dreg:$0x8];
	[sflag:s1] =	ssyncadd.s32 $0xFFFF8000  }
0x148: {  	[hbm4b:s0+s2] =	stream.linear.scatter [tilespmem:s18], [sflag:$0x4], $0x8000, $0x38;
	[tilespmem:$0x18100] =	vst v63  }
0x149: {  	_ =	swait.ge [sflag:s13], $0x8000  }
0x14a: {  	[sflag:s13] =	ssyncset.done $0x0  }
0x14b: {  	[sflag:s13] =	ssyncadd.s32 $0xFFFF8000  }
0x14c: {  	v3 =	vld [tilespmem:$0x70];
	_ =	sdelay $0x4  }
0x14d: {  	v55 =	vshll.u32 v3, $0x4  }
0x14e: {  	v3 =	vand.u32 $0x7, v3;
	v4 =	vand.u32 $0xFFFFFF80, v55  }
0x14f: {  	v3 =	vor.u32 v3, v4  }
0x150: {  	v4 =	vperm.xlane v3, v0;
	_ =	sdelay $0x1  }
0x151: {  	v4 =	vadd.s32 v1, v4;
	_ =	sdelay $0x4  }
0x152: {  	[tilespmem:s18], [sflag:$0x2] =	stream.indirect_vreg.gather [hbm4b:s4+s2], $0x80, v4, vm0, $0xb8;
	[tilespmem:$0x18100] =	vst v63  }
0x153: {  	_ = 	snop  }
0x154: {  	[tilespmem:s19], [sflag:$0x2] =	stream.indirect_vreg.gather [hbm4b:s5+s2], $0x80, v4, vm0, $0xb8;
	[tilespmem:$0x18100] =	vst v63  }
0x155: {  	_ = 	snop  }
0x156: {  	[tilespmem:s21], [sflag:$0x2] =	stream.indirect_vreg.gather [hbm4b:s6+s2], $0x80, v4, vm0, $0xb8;
	[tilespmem:$0x18100] =	vst v63  }
0x157: {  	_ = 	snop  }
0x158: {  	[tilespmem:s22], [sflag:$0x2] =	stream.indirect_vreg.gather [hbm4b:s7+s2], $0x80, v4, vm0, $0xb8;
	[tilespmem:$0x18100] =	vst v63  }
0x159: {  	s21 =	simm.s32 $0xA100  }
0x15a: {  	[tilespmem:s21], [sflag:$0x2] =	stream.indirect_vreg.gather [hbm4b:s8+s2], $0x80, v4, vm0, $0xb8;
	[tilespmem:$0x18100] =	vst v63  }
0x15b: {  	v3 =	vperm.xlane v3, v2  }
0x15c: {  	[tilespmem:s14], [sflag:$0x2] =	stream.indirect_vreg.gather [hbm4b:s9+s2], $0x80, v4, vm0, $0xb8;
	[tilespmem:$0x18100] =	vst v63  }
0x15d: {  	v3 =	vadd.s32 v1, v3  }
0x15e: {  	[tilespmem:s23], [sflag:$0x2] =	stream.indirect_vreg.gather [hbm4b:s10+s2], $0x80, v4, vm0, $0xb8;
	[tilespmem:$0x18100] =	vst v63  }
0x15f: {  	_ = 	snop  }
0x160: {  	[tilespmem:s24], [sflag:$0x2] =	stream.indirect_vreg.gather [hbm4b:s11+s2], $0x80, v4, vm0, $0xb8;
	[tilespmem:$0x18100] =	vst v63  }
0x161: {  	_ = 	snop  }
0x162: {  	[tilespmem:s25], [sflag:$0x2] =	stream.indirect_vreg.gather [hbm4b:s4+s2], $0x80, v3, vm0, $0xb8;
	[tilespmem:$0x18100] =	vst v63  }
0x163: {  	_ = 	snop  }
0x164: {  	[tilespmem:s26], [sflag:$0x2] =	stream.indirect_vreg.gather [hbm4b:s5+s2], $0x80, v3, vm0, $0xb8;
	[tilespmem:$0x18100] =	vst v63  }
0x165: {  	_ = 	snop  }
0x166: {  	[tilespmem:s28], [sflag:$0x2] =	stream.indirect_vreg.gather [hbm4b:s6+s2], $0x80, v3, vm0, $0xb8;
	[tilespmem:$0x18100] =	vst v63  }
0x167: {  	_ = 	snop  }
0x168: {  	[tilespmem:s29], [sflag:$0x2] =	stream.indirect_vreg.gather [hbm4b:s7+s2], $0x80, v3, vm0, $0xb8;
	[tilespmem:$0x18100] =	vst v63  }
0x169: {  	_ = 	snop  }
0x16a: {  	[tilespmem:s30], [sflag:$0x2] =	stream.indirect_vreg.gather [hbm4b:s8+s2], $0x80, v3, vm0, $0xb8;
	[tilespmem:$0x18100] =	vst v63  }
0x16b: {  	_ = 	snop  }
0x16c: {  	[tilespmem:s31], [sflag:$0x2] =	stream.indirect_vreg.gather [hbm4b:s9+s2], $0x80, v3, vm0, $0xb8;
	[tilespmem:$0x18100] =	vst v63  }
0x16d: {  	_ = 	snop  }
0x16e: {  	[tilespmem:s20], [sflag:$0x2] =	stream.indirect_vreg.gather [hbm4b:s10+s2], $0x80, v3, vm0, $0xb8;
	[tilespmem:$0x18100] =	vst v63  }
0x16f: {  	_ = 	snop  }
0x170: {  	[tilespmem:s17], [sflag:$0x2] =	stream.indirect_vreg.gather [hbm4b:s11+s2], $0x80, v3, vm0, $0xb8;
	[tilespmem:$0x18100] =	vst v63  }
0x171: {  	_ =	swait.ge [sflag:s15], $0x8000  }
0x172: {  	[sflag:s15] =	ssyncset.done $0x0  }
0x173: {  	s23 =	simm.s32 $0x10100;
	s22 =	rddreg [dreg:$0x9];
	[sflag:s15] =	ssyncadd.s32 $0xFFFF8000  }
0x174: {  	[hbm4b:s22+s2] =	stream.linear.scatter [tilespmem:s23], [sflag:$0x4], $0x8000, $0x38;
	[tilespmem:$0x18100] =	vst v63  }
0x175: {  	_ =	swait.ge [sflag:s13], $0x8000  }
0x176: {  	[sflag:s13] =	ssyncset.done $0x0  }
0x177: {  	[sflag:s13] =	ssyncadd.s32 $0xFFFF8000  }
0x178: {  	v3 =	vld [tilespmem:$0x80];
	_ =	sdelay $0x4  }
0x179: {  	v56 =	vshll.u32 v3, $0x4  }
0x17a: {  	v3 =	vand.u32 $0x7, v3;
	v4 =	vand.u32 $0xFFFFFF80, v56  }
0x17b: {  	v3 =	vor.u32 v3, v4  }
0x17c: {  	v4 =	vperm.xlane v3, v0;
	_ =	sdelay $0x1  }
0x17d: {  	v4 =	vadd.s32 v1, v4;
	_ =	sdelay $0x4  }
0x17e: {  	[tilespmem:s23], [sflag:$0x3] =	stream.indirect_vreg.gather [hbm4b:s4+s2], $0x80, v4, vm0, $0xb8;
	[tilespmem:$0x18100] =	vst v63  }
0x17f: {  	s19 =	simm.s32 $0x10900  }
0x180: {  	[tilespmem:s19], [sflag:$0x3] =	stream.indirect_vreg.gather [hbm4b:s5+s2], $0x80, v4, vm0, $0xb8;
	[tilespmem:$0x18100] =	vst v63  }
0x181: {  	s24 =	simm.s32 $0x11100  }
0x182: {  	[tilespmem:s24], [sflag:$0x3] =	stream.indirect_vreg.gather [hbm4b:s6+s2], $0x80, v4, vm0, $0xb8;
	[tilespmem:$0x18100] =	vst v63  }
0x183: {  	s25 =	simm.s32 $0x11900  }
0x184: {  	[tilespmem:s25], [sflag:$0x3] =	stream.indirect_vreg.gather [hbm4b:s7+s2], $0x80, v4, vm0, $0xb8;
	[tilespmem:$0x18100] =	vst v63  }
0x185: {  	s26 =	simm.s32 $0x12100  }
0x186: {  	[tilespmem:s26], [sflag:$0x3] =	stream.indirect_vreg.gather [hbm4b:s8+s2], $0x80, v4, vm0, $0xb8;
	[tilespmem:$0x18100] =	vst v63  }
0x187: {  	s28 =	simm.s32 $0x12900;
	v3 =	vperm.xlane v3, v2  }
0x188: {  	[tilespmem:s28], [sflag:$0x3] =	stream.indirect_vreg.gather [hbm4b:s9+s2], $0x80, v4, vm0, $0xb8;
	[tilespmem:$0x18100] =	vst v63  }
0x189: {  	s29 =	simm.s32 $0x13100;
	v3 =	vadd.s32 v1, v3  }
0x18a: {  	[tilespmem:s29], [sflag:$0x3] =	stream.indirect_vreg.gather [hbm4b:s10+s2], $0x80, v4, vm0, $0xb8;
	[tilespmem:$0x18100] =	vst v63  }
0x18b: {  	s30 =	simm.s32 $0x13900  }
0x18c: {  	[tilespmem:s30], [sflag:$0x3] =	stream.indirect_vreg.gather [hbm4b:s11+s2], $0x80, v4, vm0, $0xb8;
	[tilespmem:$0x18100] =	vst v63  }
0x18d: {  	s31 =	simm.s32 $0x14100  }
0x18e: {  	[tilespmem:s31], [sflag:$0x3] =	stream.indirect_vreg.gather [hbm4b:s4+s2], $0x80, v3, vm0, $0xb8;
	[tilespmem:$0x18100] =	vst v63  }
0x18f: {  	s16 =	simm.s32 $0x14900  }
0x190: {  	[tilespmem:s16], [sflag:$0x3] =	stream.indirect_vreg.gather [hbm4b:s5+s2], $0x80, v3, vm0, $0xb8;
	[tilespmem:$0x18100] =	vst v63  }
0x191: {  	s17 =	simm.s32 $0x15100  }
0x192: {  	[tilespmem:s17], [sflag:$0x3] =	stream.indirect_vreg.gather [hbm4b:s6+s2], $0x80, v3, vm0, $0xb8;
	[tilespmem:$0x18100] =	vst v63  }
0x193: {  	s20 =	simm.s32 $0x15900  }
0x194: {  	[tilespmem:s20], [sflag:$0x3] =	stream.indirect_vreg.gather [hbm4b:s7+s2], $0x80, v3, vm0, $0xb8;
	[tilespmem:$0x18100] =	vst v63  }
0x195: {  	s21 =	simm.s32 $0x16100  }
0x196: {  	[tilespmem:s21], [sflag:$0x3] =	stream.indirect_vreg.gather [hbm4b:s8+s2], $0x80, v3, vm0, $0xb8;
	[tilespmem:$0x18100] =	vst v63  }
0x197: {  	s22 =	simm.s32 $0x16900  }
0x198: {  	[tilespmem:s22], [sflag:$0x3] =	stream.indirect_vreg.gather [hbm4b:s9+s2], $0x80, v3, vm0, $0xb8;
	[tilespmem:$0x18100] =	vst v63  }
0x199: {  	s23 =	simm.s32 $0x17100  }
0x19a: {  	[tilespmem:s23], [sflag:$0x3] =	stream.indirect_vreg.gather [hbm4b:s10+s2], $0x80, v3, vm0, $0xb8;
	[tilespmem:$0x18100] =	vst v63  }
0x19b: {  	s24 =	simm.s32 $0x17900  }
0x19c: {  	[tilespmem:s24], [sflag:$0x3] =	stream.indirect_vreg.gather [hbm4b:s11+s2], $0x80, v3, vm0, $0xb8;
	[tilespmem:$0x18100] =	vst v63  }
0x19d: {  	_ =	swait.ge [sflag:s3], $0x8000  }
0x19e: {  	[sflag:s3] =	ssyncset.done $0x0  }
0x19f: {  	s26 =	simm.s32 $0x100;
	s25 =	rddreg [dreg:$0xa];
	[sflag:s3] =	ssyncadd.s32 $0xFFFF8000  }
0x1a0: {  	[hbm4b:s25+s2] =	stream.linear.scatter [tilespmem:s26], [sflag:$0x4], $0x8000, $0x38;
	[tilespmem:$0x18100] =	vst v63  }
0x1a1: {  	_ =	swait.ge [sflag:s13], $0x8000  }
0x1a2: {  	[sflag:s13] =	ssyncset.done $0x0  }
0x1a3: {  	[sflag:s13] =	ssyncadd.s32 $0xFFFF8000  }
0x1a4: {  	v3 =	vld [tilespmem:$0x90];
	_ =	sdelay $0x4  }
0x1a5: {  	v57 =	vshll.u32 v3, $0x4  }
0x1a6: {  	v3 =	vand.u32 $0x7, v3;
	v4 =	vand.u32 $0xFFFFFF80, v57  }
0x1a7: {  	v3 =	vor.u32 v3, v4  }
0x1a8: {  	v4 =	vperm.xlane v3, v0;
	_ =	sdelay $0x1  }
0x1a9: {  	v4 =	vadd.s32 v1, v4;
	_ =	sdelay $0x4  }
0x1aa: {  	[tilespmem:s26], [sflag:$0x1] =	stream.indirect_vreg.gather [hbm4b:s4+s2], $0x80, v4, vm0, $0xb8;
	[tilespmem:$0x18100] =	vst v63  }
0x1ab: {  	s20 =	simm.s32 $0x900  }
0x1ac: {  	[tilespmem:s20], [sflag:$0x1] =	stream.indirect_vreg.gather [hbm4b:s5+s2], $0x80, v4, vm0, $0xb8;
	[tilespmem:$0x18100] =	vst v63  }
0x1ad: {  	s31 =	simm.s32 $0x1100  }
0x1ae: {  	[tilespmem:s31], [sflag:$0x1] =	stream.indirect_vreg.gather [hbm4b:s6+s2], $0x80, v4, vm0, $0xb8;
	[tilespmem:$0x18100] =	vst v63  }
0x1af: {  	s28 =	simm.s32 $0x1900  }
0x1b0: {  	[tilespmem:s28], [sflag:$0x1] =	stream.indirect_vreg.gather [hbm4b:s7+s2], $0x80, v4, vm0, $0xb8;
	[tilespmem:$0x18100] =	vst v63  }
0x1b1: {  	s29 =	simm.s32 $0x2100  }
0x1b2: {  	[tilespmem:s29], [sflag:$0x1] =	stream.indirect_vreg.gather [hbm4b:s8+s2], $0x80, v4, vm0, $0xb8;
	[tilespmem:$0x18100] =	vst v63  }
0x1b3: {  	v3 =	vperm.xlane v3, v2;
	s29 =	simm.s32 $0x2900  }
0x1b4: {  	[tilespmem:s29], [sflag:$0x1] =	stream.indirect_vreg.gather [hbm4b:s9+s2], $0x80, v4, vm0, $0xb8;
	[tilespmem:$0x18100] =	vst v63  }
0x1b5: {  	s17 =	simm.s32 $0x3100;
	v3 =	vadd.s32 v1, v3  }
0x1b6: {  	[tilespmem:s17], [sflag:$0x1] =	stream.indirect_vreg.gather [hbm4b:s10+s2], $0x80, v4, vm0, $0xb8;
	[tilespmem:$0x18100] =	vst v63  }
0x1b7: {  	s30 =	simm.s32 $0x3900  }
0x1b8: {  	[tilespmem:s30], [sflag:$0x1] =	stream.indirect_vreg.gather [hbm4b:s11+s2], $0x80, v4, vm0, $0xb8;
	[tilespmem:$0x18100] =	vst v63  }
0x1b9: {  	s21 =	simm.s32 $0x4100  }
0x1ba: {  	[tilespmem:s21], [sflag:$0x1] =	stream.indirect_vreg.gather [hbm4b:s4+s2], $0x80, v3, vm0, $0xb8;
	[tilespmem:$0x18100] =	vst v63  }
0x1bb: {  	s22 =	simm.s32 $0x4900  }
0x1bc: {  	[tilespmem:s22], [sflag:$0x1] =	stream.indirect_vreg.gather [hbm4b:s5+s2], $0x80, v3, vm0, $0xb8;
	[tilespmem:$0x18100] =	vst v63  }
0x1bd: {  	s23 =	simm.s32 $0x5100  }
0x1be: {  	[tilespmem:s23], [sflag:$0x1] =	stream.indirect_vreg.gather [hbm4b:s6+s2], $0x80, v3, vm0, $0xb8;
	[tilespmem:$0x18100] =	vst v63  }
0x1bf: {  	s24 =	simm.s32 $0x5900  }
0x1c0: {  	[tilespmem:s24], [sflag:$0x1] =	stream.indirect_vreg.gather [hbm4b:s7+s2], $0x80, v3, vm0, $0xb8;
	[tilespmem:$0x18100] =	vst v63  }
0x1c1: {  	s25 =	simm.s32 $0x6100  }
0x1c2: {  	[tilespmem:s25], [sflag:$0x1] =	stream.indirect_vreg.gather [hbm4b:s8+s2], $0x80, v3, vm0, $0xb8;
	[tilespmem:$0x18100] =	vst v63  }
0x1c3: {  	s26 =	simm.s32 $0x6900  }
0x1c4: {  	[tilespmem:s26], [sflag:$0x1] =	stream.indirect_vreg.gather [hbm4b:s9+s2], $0x80, v3, vm0, $0xb8;
	[tilespmem:$0x18100] =	vst v63  }
0x1c5: {  	s28 =	simm.s32 $0x7100  }
0x1c6: {  	[tilespmem:s28], [sflag:$0x1] =	stream.indirect_vreg.gather [hbm4b:s10+s2], $0x80, v3, vm0, $0xb8;
	[tilespmem:$0x18100] =	vst v63  }
0x1c7: {  	s30 =	simm.s32 $0x7900  }
0x1c8: {  	[tilespmem:s30], [sflag:$0x1] =	stream.indirect_vreg.gather [hbm4b:s11+s2], $0x80, v3, vm0, $0xb8;
	[tilespmem:$0x18100] =	vst v63  }
0x1c9: {  	_ =	swait.ge [sflag:s1], $0x8000  }
0x1ca: {  	[sflag:s1] =	ssyncset.done $0x0  }
0x1cb: {  	s18 =	simm.s32 $0x8100;
	s14 =	rddreg [dreg:$0xb];
	[sflag:s1] =	ssyncadd.s32 $0xFFFF8000  }
0x1cc: {  	[hbm4b:s14+s2] =	stream.linear.scatter [tilespmem:s18], [sflag:$0x4], $0x8000, $0x38;
	[tilespmem:$0x18100] =	vst v63  }
0x1cd: {  	_ =	swait.ge [sflag:s13], $0x8000  }
0x1ce: {  	[sflag:s13] =	ssyncset.done $0x0  }
0x1cf: {  	[sflag:s13] =	ssyncadd.s32 $0xFFFF8000  }
0x1d0: {  	v3 =	vld [tilespmem:$0xA0];
	_ =	sdelay $0x4  }
0x1d1: {  	v58 =	vshll.u32 v3, $0x4  }
0x1d2: {  	v3 =	vand.u32 $0x7, v3;
	v4 =	vand.u32 $0xFFFFFF80, v58  }
0x1d3: {  	v3 =	vor.u32 v3, v4  }
0x1d4: {  	v4 =	vperm.xlane v3, v0;
	_ =	sdelay $0x1  }
0x1d5: {  	v4 =	vadd.s32 v1, v4;
	_ =	sdelay $0x4  }
0x1d6: {  	[tilespmem:s18], [sflag:$0x2] =	stream.indirect_vreg.gather [hbm4b:s4+s2], $0x80, v4, vm0, $0xb8;
	[tilespmem:$0x18100] =	vst v63  }
0x1d7: {  	s18 =	simm.s32 $0x8900  }
0x1d8: {  	[tilespmem:s18], [sflag:$0x2] =	stream.indirect_vreg.gather [hbm4b:s5+s2], $0x80, v4, vm0, $0xb8;
	[tilespmem:$0x18100] =	vst v63  }
0x1d9: {  	s16 =	simm.s32 $0x9100  }
0x1da: {  	[tilespmem:s16], [sflag:$0x2] =	stream.indirect_vreg.gather [hbm4b:s6+s2], $0x80, v4, vm0, $0xb8;
	[tilespmem:$0x18100] =	vst v63  }
0x1db: {  	s18 =	simm.s32 $0x9900  }
0x1dc: {  	[tilespmem:s18], [sflag:$0x2] =	stream.indirect_vreg.gather [hbm4b:s7+s2], $0x80, v4, vm0, $0xb8;
	[tilespmem:$0x18100] =	vst v63  }
0x1dd: {  	s16 =	simm.s32 $0xA100  }
0x1de: {  	[tilespmem:s16], [sflag:$0x2] =	stream.indirect_vreg.gather [hbm4b:s8+s2], $0x80, v4, vm0, $0xb8;
	[tilespmem:$0x18100] =	vst v63  }
0x1df: {  	v3 =	vperm.xlane v3, v2;
	s18 =	simm.s32 $0xA900  }
0x1e0: {  	[tilespmem:s18], [sflag:$0x2] =	stream.indirect_vreg.gather [hbm4b:s9+s2], $0x80, v4, vm0, $0xb8;
	[tilespmem:$0x18100] =	vst v63  }
0x1e1: {  	v3 =	vadd.s32 v1, v3;
	s16 =	simm.s32 $0xB100  }
0x1e2: {  	[tilespmem:s16], [sflag:$0x2] =	stream.indirect_vreg.gather [hbm4b:s10+s2], $0x80, v4, vm0, $0xb8;
	[tilespmem:$0x18100] =	vst v63  }
0x1e3: {  	s18 =	simm.s32 $0xB900  }
0x1e4: {  	[tilespmem:s18], [sflag:$0x2] =	stream.indirect_vreg.gather [hbm4b:s11+s2], $0x80, v4, vm0, $0xb8;
	[tilespmem:$0x18100] =	vst v63  }
0x1e5: {  	s16 =	simm.s32 $0xC100  }
0x1e6: {  	[tilespmem:s16], [sflag:$0x2] =	stream.indirect_vreg.gather [hbm4b:s4+s2], $0x80, v3, vm0, $0xb8;
	[tilespmem:$0x18100] =	vst v63  }
0x1e7: {  	s18 =	simm.s32 $0xC900  }
0x1e8: {  	[tilespmem:s18], [sflag:$0x2] =	stream.indirect_vreg.gather [hbm4b:s5+s2], $0x80, v3, vm0, $0xb8;
	[tilespmem:$0x18100] =	vst v63  }
0x1e9: {  	s16 =	simm.s32 $0xD100  }
0x1ea: {  	[tilespmem:s16], [sflag:$0x2] =	stream.indirect_vreg.gather [hbm4b:s6+s2], $0x80, v3, vm0, $0xb8;
	[tilespmem:$0x18100] =	vst v63  }
0x1eb: {  	s18 =	simm.s32 $0xD900  }
0x1ec: {  	[tilespmem:s18], [sflag:$0x2] =	stream.indirect_vreg.gather [hbm4b:s7+s2], $0x80, v3, vm0, $0xb8;
	[tilespmem:$0x18100] =	vst v63  }
0x1ed: {  	s16 =	simm.s32 $0xE100  }
0x1ee: {  	[tilespmem:s16], [sflag:$0x2] =	stream.indirect_vreg.gather [hbm4b:s8+s2], $0x80, v3, vm0, $0xb8;
	[tilespmem:$0x18100] =	vst v63  }
0x1ef: {  	s18 =	simm.s32 $0xE900  }
0x1f0: {  	[tilespmem:s18], [sflag:$0x2] =	stream.indirect_vreg.gather [hbm4b:s9+s2], $0x80, v3, vm0, $0xb8;
	[tilespmem:$0x18100] =	vst v63  }
0x1f1: {  	s16 =	simm.s32 $0xF100  }
0x1f2: {  	[tilespmem:s16], [sflag:$0x2] =	stream.indirect_vreg.gather [hbm4b:s10+s2], $0x80, v3, vm0, $0xb8;
	[tilespmem:$0x18100] =	vst v63  }
0x1f3: {  	s18 =	simm.s32 $0xF900  }
0x1f4: {  	[tilespmem:s18], [sflag:$0x2] =	stream.indirect_vreg.gather [hbm4b:s11+s2], $0x80, v3, vm0, $0xb8;
	[tilespmem:$0x18100] =	vst v63  }
0x1f5: {  	_ =	swait.ge [sflag:s15], $0x8000  }
0x1f6: {  	[sflag:s15] =	ssyncset.done $0x0  }
0x1f7: {  	s0 =	simm.s32 $0x10100;
	s14 =	rddreg [dreg:$0xc];
	[sflag:s15] =	ssyncadd.s32 $0xFFFF8000  }
0x1f8: {  	[hbm4b:s14+s2] =	stream.linear.scatter [tilespmem:s0], [sflag:$0x4], $0x8000, $0x38;
	[tilespmem:$0x18100] =	vst v63  }
0x1f9: {  	_ =	swait.ge [sflag:s13], $0x8000  }
0x1fa: {  	[sflag:s13] =	ssyncset.done $0x0  }
0x1fb: {  	[sflag:s13] =	ssyncadd.s32 $0xFFFF8000  }
0x1fc: {  	v3 =	vld [tilespmem:$0xB0];
	_ =	sdelay $0x4  }
0x1fd: {  	v59 =	vshll.u32 v3, $0x4  }
0x1fe: {  	v3 =	vand.u32 $0x7, v3;
	v4 =	vand.u32 $0xFFFFFF80, v59  }
0x1ff: {  	v3 =	vor.u32 v3, v4  }
0x200: {  	v4 =	vperm.xlane v3, v0;
	_ =	sdelay $0x1  }
0x201: {  	v4 =	vadd.s32 v1, v4;
	_ =	sdelay $0x4  }
0x202: {  	[tilespmem:s0], [sflag:$0x3] =	stream.indirect_vreg.gather [hbm4b:s4+s2], $0x80, v4, vm0, $0xb8;
	[tilespmem:$0x18100] =	vst v63  }
0x203: {  	_ = 	snop  }
0x204: {  	[tilespmem:s19], [sflag:$0x3] =	stream.indirect_vreg.gather [hbm4b:s5+s2], $0x80, v4, vm0, $0xb8;
	[tilespmem:$0x18100] =	vst v63  }
0x205: {  	s18 =	simm.s32 $0x11100  }
0x206: {  	[tilespmem:s18], [sflag:$0x3] =	stream.indirect_vreg.gather [hbm4b:s6+s2], $0x80, v4, vm0, $0xb8;
	[tilespmem:$0x18100] =	vst v63  }
0x207: {  	s19 =	simm.s32 $0x11900  }
0x208: {  	[tilespmem:s19], [sflag:$0x3] =	stream.indirect_vreg.gather [hbm4b:s7+s2], $0x80, v4, vm0, $0xb8;
	[tilespmem:$0x18100] =	vst v63  }
0x209: {  	s14 =	simm.s32 $0x12100  }
0x20a: {  	[tilespmem:s14], [sflag:$0x3] =	stream.indirect_vreg.gather [hbm4b:s8+s2], $0x80, v4, vm0, $0xb8;
	[tilespmem:$0x18100] =	vst v63  }
0x20b: {  	s16 =	simm.s32 $0x12900;
	v3 =	vperm.xlane v3, v2  }
0x20c: {  	[tilespmem:s16], [sflag:$0x3] =	stream.indirect_vreg.gather [hbm4b:s9+s2], $0x80, v4, vm0, $0xb8;
	[tilespmem:$0x18100] =	vst v63  }
0x20d: {  	v3 =	vadd.s32 v1, v3;
	s18 =	simm.s32 $0x13100  }
0x20e: {  	[tilespmem:s18], [sflag:$0x3] =	stream.indirect_vreg.gather [hbm4b:s10+s2], $0x80, v4, vm0, $0xb8;
	[tilespmem:$0x18100] =	vst v63  }
0x20f: {  	s19 =	simm.s32 $0x13900  }
0x210: {  	[tilespmem:s19], [sflag:$0x3] =	stream.indirect_vreg.gather [hbm4b:s11+s2], $0x80, v4, vm0, $0xb8;
	[tilespmem:$0x18100] =	vst v63  }
0x211: {  	s14 =	simm.s32 $0x14100  }
0x212: {  	[tilespmem:s14], [sflag:$0x3] =	stream.indirect_vreg.gather [hbm4b:s4+s2], $0x80, v3, vm0, $0xb8;
	[tilespmem:$0x18100] =	vst v63  }
0x213: {  	s16 =	simm.s32 $0x14900  }
0x214: {  	[tilespmem:s16], [sflag:$0x3] =	stream.indirect_vreg.gather [hbm4b:s5+s2], $0x80, v3, vm0, $0xb8;
	[tilespmem:$0x18100] =	vst v63  }
0x215: {  	s18 =	simm.s32 $0x15100  }
0x216: {  	[tilespmem:s18], [sflag:$0x3] =	stream.indirect_vreg.gather [hbm4b:s6+s2], $0x80, v3, vm0, $0xb8;
	[tilespmem:$0x18100] =	vst v63  }
0x217: {  	s19 =	simm.s32 $0x15900  }
0x218: {  	[tilespmem:s19], [sflag:$0x3] =	stream.indirect_vreg.gather [hbm4b:s7+s2], $0x80, v3, vm0, $0xb8;
	[tilespmem:$0x18100] =	vst v63  }
0x219: {  	s14 =	simm.s32 $0x16100  }
0x21a: {  	[tilespmem:s14], [sflag:$0x3] =	stream.indirect_vreg.gather [hbm4b:s8+s2], $0x80, v3, vm0, $0xb8;
	[tilespmem:$0x18100] =	vst v63  }
0x21b: {  	s16 =	simm.s32 $0x16900  }
0x21c: {  	[tilespmem:s16], [sflag:$0x3] =	stream.indirect_vreg.gather [hbm4b:s9+s2], $0x80, v3, vm0, $0xb8;
	[tilespmem:$0x18100] =	vst v63  }
0x21d: {  	s18 =	simm.s32 $0x17100  }
0x21e: {  	[tilespmem:s18], [sflag:$0x3] =	stream.indirect_vreg.gather [hbm4b:s10+s2], $0x80, v3, vm0, $0xb8;
	[tilespmem:$0x18100] =	vst v63  }
0x21f: {  	s19 =	simm.s32 $0x17900  }
0x220: {  	[tilespmem:s19], [sflag:$0x3] =	stream.indirect_vreg.gather [hbm4b:s11+s2], $0x80, v3, vm0, $0xb8;
	[tilespmem:$0x18100] =	vst v63  }
0x221: {  	_ =	swait.ge [sflag:s3], $0x8000  }
0x222: {  	[sflag:s3] =	ssyncset.done $0x0  }
0x223: {  	s14 =	simm.s32 $0x100;
	s0 =	rddreg [dreg:$0xd];
	[sflag:s3] =	ssyncadd.s32 $0xFFFF8000  }
0x224: {  	[hbm4b:s0+s2] =	stream.linear.scatter [tilespmem:s14], [sflag:$0x4], $0x8000, $0x38;
	[tilespmem:$0x18100] =	vst v63  }
0x225: {  	_ =	swait.ge [sflag:s13], $0x8000  }
0x226: {  	[sflag:s13] =	ssyncset.done $0x0  }
0x227: {  	[sflag:s13] =	ssyncadd.s32 $0xFFFF8000  }
0x228: {  	v3 =	vld [tilespmem:$0xC0];
	_ =	sdelay $0x4  }
0x229: {  	v60 =	vshll.u32 v3, $0x4  }
0x22a: {  	v3 =	vand.u32 $0x7, v3;
	v4 =	vand.u32 $0xFFFFFF80, v60  }
0x22b: {  	v3 =	vor.u32 v3, v4  }
0x22c: {  	v4 =	vperm.xlane v3, v0;
	_ =	sdelay $0x1  }
0x22d: {  	v4 =	vadd.s32 v1, v4;
	_ =	sdelay $0x4  }
0x22e: {  	[tilespmem:s14], [sflag:$0x1] =	stream.indirect_vreg.gather [hbm4b:s4+s2], $0x80, v4, vm0, $0xb8;
	[tilespmem:$0x18100] =	vst v63  }
0x22f: {  	_ = 	snop  }
0x230: {  	[tilespmem:s20], [sflag:$0x1] =	stream.indirect_vreg.gather [hbm4b:s5+s2], $0x80, v4, vm0, $0xb8;
	[tilespmem:$0x18100] =	vst v63  }
0x231: {  	_ = 	snop  }
0x232: {  	[tilespmem:s31], [sflag:$0x1] =	stream.indirect_vreg.gather [hbm4b:s6+s2], $0x80, v4, vm0, $0xb8;
	[tilespmem:$0x18100] =	vst v63  }
0x233: {  	s18 =	simm.s32 $0x1900  }
0x234: {  	[tilespmem:s18], [sflag:$0x1] =	stream.indirect_vreg.gather [hbm4b:s7+s2], $0x80, v4, vm0, $0xb8;
	[tilespmem:$0x18100] =	vst v63  }
0x235: {  	s19 =	simm.s32 $0x2100  }
0x236: {  	[tilespmem:s19], [sflag:$0x1] =	stream.indirect_vreg.gather [hbm4b:s8+s2], $0x80, v4, vm0, $0xb8;
	[tilespmem:$0x18100] =	vst v63  }
0x237: {  	v3 =	vperm.xlane v3, v2  }
0x238: {  	[tilespmem:s29], [sflag:$0x1] =	stream.indirect_vreg.gather [hbm4b:s9+s2], $0x80, v4, vm0, $0xb8;
	[tilespmem:$0x18100] =	vst v63  }
0x239: {  	v3 =	vadd.s32 v1, v3  }
0x23a: {  	[tilespmem:s17], [sflag:$0x1] =	stream.indirect_vreg.gather [hbm4b:s10+s2], $0x80, v4, vm0, $0xb8;
	[tilespmem:$0x18100] =	vst v63  }
0x23b: {  	s31 =	simm.s32 $0x3900  }
0x23c: {  	[tilespmem:s31], [sflag:$0x1] =	stream.indirect_vreg.gather [hbm4b:s11+s2], $0x80, v4, vm0, $0xb8;
	[tilespmem:$0x18100] =	vst v63  }
0x23d: {  	_ = 	snop  }
0x23e: {  	[tilespmem:s21], [sflag:$0x1] =	stream.indirect_vreg.gather [hbm4b:s4+s2], $0x80, v3, vm0, $0xb8;
	[tilespmem:$0x18100] =	vst v63  }
0x23f: {  	_ = 	snop  }
0x240: {  	[tilespmem:s22], [sflag:$0x1] =	stream.indirect_vreg.gather [hbm4b:s5+s2], $0x80, v3, vm0, $0xb8;
	[tilespmem:$0x18100] =	vst v63  }
0x241: {  	_ = 	snop  }
0x242: {  	[tilespmem:s23], [sflag:$0x1] =	stream.indirect_vreg.gather [hbm4b:s6+s2], $0x80, v3, vm0, $0xb8;
	[tilespmem:$0x18100] =	vst v63  }
0x243: {  	_ = 	snop  }
0x244: {  	[tilespmem:s24], [sflag:$0x1] =	stream.indirect_vreg.gather [hbm4b:s7+s2], $0x80, v3, vm0, $0xb8;
	[tilespmem:$0x18100] =	vst v63  }
0x245: {  	_ = 	snop  }
0x246: {  	[tilespmem:s25], [sflag:$0x1] =	stream.indirect_vreg.gather [hbm4b:s8+s2], $0x80, v3, vm0, $0xb8;
	[tilespmem:$0x18100] =	vst v63  }
0x247: {  	_ = 	snop  }
0x248: {  	[tilespmem:s26], [sflag:$0x1] =	stream.indirect_vreg.gather [hbm4b:s9+s2], $0x80, v3, vm0, $0xb8;
	[tilespmem:$0x18100] =	vst v63  }
0x249: {  	_ = 	snop  }
0x24a: {  	[tilespmem:s28], [sflag:$0x1] =	stream.indirect_vreg.gather [hbm4b:s10+s2], $0x80, v3, vm0, $0xb8;
	[tilespmem:$0x18100] =	vst v63  }
0x24b: {  	_ = 	snop  }
0x24c: {  	[tilespmem:s30], [sflag:$0x1] =	stream.indirect_vreg.gather [hbm4b:s11+s2], $0x80, v3, vm0, $0xb8;
	[tilespmem:$0x18100] =	vst v63  }
0x24d: {  	_ =	swait.ge [sflag:s1], $0x8000  }
0x24e: {  	[sflag:s1] =	ssyncset.done $0x0  }
0x24f: {  	s0 =	simm.s32 $0x8100;
	s16 =	rddreg [dreg:$0xe];
	[sflag:s1] =	ssyncadd.s32 $0xFFFF8000  }
0x250: {  	[hbm4b:s16+s2] =	stream.linear.scatter [tilespmem:s0], [sflag:$0x4], $0x8000, $0x38;
	[tilespmem:$0x18100] =	vst v63  }
0x251: {  	_ =	swait.ge [sflag:s13], $0x8000  }
0x252: {  	[sflag:s13] =	ssyncset.done $0x0  }
0x253: {  	[sflag:s13] =	ssyncadd.s32 $0xFFFF8000  }
0x254: {  	v3 =	vld [tilespmem:$0xD0];
	_ =	sdelay $0x4  }
0x255: {  	v61 =	vshll.u32 v3, $0x4  }
0x256: {  	v3 =	vand.u32 $0x7, v3;
	v4 =	vand.u32 $0xFFFFFF80, v61  }
0x257: {  	v3 =	vor.u32 v3, v4  }
0x258: {  	v4 =	vperm.xlane v3, v0;
	_ =	sdelay $0x1  }
0x259: {  	v4 =	vadd.s32 v1, v4;
	_ =	sdelay $0x4  }
0x25a: {  	[tilespmem:s0], [sflag:$0x2] =	stream.indirect_vreg.gather [hbm4b:s4+s2], $0x80, v4, vm0, $0xb8;
	[tilespmem:$0x18100] =	vst v63  }
0x25b: {  	s16 =	simm.s32 $0x8900  }
0x25c: {  	[tilespmem:s16], [sflag:$0x2] =	stream.indirect_vreg.gather [hbm4b:s5+s2], $0x80, v4, vm0, $0xb8;
	[tilespmem:$0x18100] =	vst v63  }
0x25d: {  	s16 =	simm.s32 $0x9100  }
0x25e: {  	[tilespmem:s16], [sflag:$0x2] =	stream.indirect_vreg.gather [hbm4b:s6+s2], $0x80, v4, vm0, $0xb8;
	[tilespmem:$0x18100] =	vst v63  }
0x25f: {  	s16 =	simm.s32 $0x9900  }
0x260: {  	[tilespmem:s16], [sflag:$0x2] =	stream.indirect_vreg.gather [hbm4b:s7+s2], $0x80, v4, vm0, $0xb8;
	[tilespmem:$0x18100] =	vst v63  }
0x261: {  	s16 =	simm.s32 $0xA100  }
0x262: {  	[tilespmem:s16], [sflag:$0x2] =	stream.indirect_vreg.gather [hbm4b:s8+s2], $0x80, v4, vm0, $0xb8;
	[tilespmem:$0x18100] =	vst v63  }
0x263: {  	v3 =	vperm.xlane v3, v2;
	s16 =	simm.s32 $0xA900  }
0x264: {  	[tilespmem:s16], [sflag:$0x2] =	stream.indirect_vreg.gather [hbm4b:s9+s2], $0x80, v4, vm0, $0xb8;
	[tilespmem:$0x18100] =	vst v63  }
0x265: {  	v3 =	vadd.s32 v1, v3;
	s16 =	simm.s32 $0xB100  }
0x266: {  	[tilespmem:s16], [sflag:$0x2] =	stream.indirect_vreg.gather [hbm4b:s10+s2], $0x80, v4, vm0, $0xb8;
	[tilespmem:$0x18100] =	vst v63  }
0x267: {  	s16 =	simm.s32 $0xB900  }
0x268: {  	[tilespmem:s16], [sflag:$0x2] =	stream.indirect_vreg.gather [hbm4b:s11+s2], $0x80, v4, vm0, $0xb8;
	[tilespmem:$0x18100] =	vst v63  }
0x269: {  	s16 =	simm.s32 $0xC100  }
0x26a: {  	[tilespmem:s16], [sflag:$0x2] =	stream.indirect_vreg.gather [hbm4b:s4+s2], $0x80, v3, vm0, $0xb8;
	[tilespmem:$0x18100] =	vst v63  }
0x26b: {  	s16 =	simm.s32 $0xC900  }
0x26c: {  	[tilespmem:s16], [sflag:$0x2] =	stream.indirect_vreg.gather [hbm4b:s5+s2], $0x80, v3, vm0, $0xb8;
	[tilespmem:$0x18100] =	vst v63  }
0x26d: {  	s16 =	simm.s32 $0xD100  }
0x26e: {  	[tilespmem:s16], [sflag:$0x2] =	stream.indirect_vreg.gather [hbm4b:s6+s2], $0x80, v3, vm0, $0xb8;
	[tilespmem:$0x18100] =	vst v63  }
0x26f: {  	s16 =	simm.s32 $0xD900  }
0x270: {  	[tilespmem:s16], [sflag:$0x2] =	stream.indirect_vreg.gather [hbm4b:s7+s2], $0x80, v3, vm0, $0xb8;
	[tilespmem:$0x18100] =	vst v63  }
0x271: {  	s16 =	simm.s32 $0xE100  }
0x272: {  	[tilespmem:s16], [sflag:$0x2] =	stream.indirect_vreg.gather [hbm4b:s8+s2], $0x80, v3, vm0, $0xb8;
	[tilespmem:$0x18100] =	vst v63  }
0x273: {  	s16 =	simm.s32 $0xE900  }
0x274: {  	[tilespmem:s16], [sflag:$0x2] =	stream.indirect_vreg.gather [hbm4b:s9+s2], $0x80, v3, vm0, $0xb8;
	[tilespmem:$0x18100] =	vst v63  }
0x275: {  	s16 =	simm.s32 $0xF100  }
0x276: {  	[tilespmem:s16], [sflag:$0x2] =	stream.indirect_vreg.gather [hbm4b:s10+s2], $0x80, v3, vm0, $0xb8;
	[tilespmem:$0x18100] =	vst v63  }
0x277: {  	s16 =	simm.s32 $0xF900  }
0x278: {  	[tilespmem:s16], [sflag:$0x2] =	stream.indirect_vreg.gather [hbm4b:s11+s2], $0x80, v3, vm0, $0xb8;
	[tilespmem:$0x18100] =	vst v63  }
0x279: {  	_ =	swait.ge [sflag:s15], $0x8000  }
0x27a: {  	[sflag:s15] =	ssyncset.done $0x0  }
0x27b: {  	s0 =	simm.s32 $0x10100;
	s16 =	rddreg [dreg:$0xf];
	[sflag:s15] =	ssyncadd.s32 $0xFFFF8000  }
0x27c: {  	[hbm4b:s16+s2] =	stream.linear.scatter [tilespmem:s0], [sflag:$0x4], $0x8000, $0x38;
	[tilespmem:$0x18100] =	vst v63  }
0x27d: {  	_ =	swait.ge [sflag:s13], $0x8000  }
0x27e: {  	[sflag:s13] =	ssyncset.done $0x0  }
0x27f: {  	[sflag:s13] =	ssyncadd.s32 $0xFFFF8000  }
0x280: {  	v3 =	vld [tilespmem:$0xE0];
	_ =	sdelay $0x4  }
0x281: {  	v62 =	vshll.u32 v3, $0x4  }
0x282: {  	v3 =	vand.u32 $0x7, v3;
	v4 =	vand.u32 $0xFFFFFF80, v62  }
0x283: {  	v3 =	vor.u32 v3, v4  }
0x284: {  	v4 =	vperm.xlane v3, v0;
	_ =	sdelay $0x1  }
0x285: {  	v4 =	vadd.s32 v1, v4;
	_ =	sdelay $0x4  }
0x286: {  	[tilespmem:s0], [sflag:$0x3] =	stream.indirect_vreg.gather [hbm4b:s4+s2], $0x80, v4, vm0, $0xb8;
	[tilespmem:$0x18100] =	vst v63  }
0x287: {  	s16 =	simm.s32 $0x10900  }
0x288: {  	[tilespmem:s16], [sflag:$0x3] =	stream.indirect_vreg.gather [hbm4b:s5+s2], $0x80, v4, vm0, $0xb8;
	[tilespmem:$0x18100] =	vst v63  }
0x289: {  	s16 =	simm.s32 $0x11100  }
0x28a: {  	[tilespmem:s16], [sflag:$0x3] =	stream.indirect_vreg.gather [hbm4b:s6+s2], $0x80, v4, vm0, $0xb8;
	[tilespmem:$0x18100] =	vst v63  }
0x28b: {  	s16 =	simm.s32 $0x11900  }
0x28c: {  	[tilespmem:s16], [sflag:$0x3] =	stream.indirect_vreg.gather [hbm4b:s7+s2], $0x80, v4, vm0, $0xb8;
	[tilespmem:$0x18100] =	vst v63  }
0x28d: {  	s16 =	simm.s32 $0x12100  }
0x28e: {  	[tilespmem:s16], [sflag:$0x3] =	stream.indirect_vreg.gather [hbm4b:s8+s2], $0x80, v4, vm0, $0xb8;
	[tilespmem:$0x18100] =	vst v63  }
0x28f: {  	v3 =	vperm.xlane v3, v2;
	s16 =	simm.s32 $0x12900  }
0x290: {  	[tilespmem:s16], [sflag:$0x3] =	stream.indirect_vreg.gather [hbm4b:s9+s2], $0x80, v4, vm0, $0xb8;
	[tilespmem:$0x18100] =	vst v63  }
0x291: {  	v3 =	vadd.s32 v1, v3;
	s16 =	simm.s32 $0x13100  }
0x292: {  	[tilespmem:s16], [sflag:$0x3] =	stream.indirect_vreg.gather [hbm4b:s10+s2], $0x80, v4, vm0, $0xb8;
	[tilespmem:$0x18100] =	vst v63  }
0x293: {  	s16 =	simm.s32 $0x13900  }
0x294: {  	[tilespmem:s16], [sflag:$0x3] =	stream.indirect_vreg.gather [hbm4b:s11+s2], $0x80, v4, vm0, $0xb8;
	[tilespmem:$0x18100] =	vst v63  }
0x295: {  	s16 =	simm.s32 $0x14100  }
0x296: {  	[tilespmem:s16], [sflag:$0x3] =	stream.indirect_vreg.gather [hbm4b:s4+s2], $0x80, v3, vm0, $0xb8;
	[tilespmem:$0x18100] =	vst v63  }
0x297: {  	s16 =	simm.s32 $0x14900  }
0x298: {  	[tilespmem:s16], [sflag:$0x3] =	stream.indirect_vreg.gather [hbm4b:s5+s2], $0x80, v3, vm0, $0xb8;
	[tilespmem:$0x18100] =	vst v63  }
0x299: {  	s16 =	simm.s32 $0x15100  }
0x29a: {  	[tilespmem:s16], [sflag:$0x3] =	stream.indirect_vreg.gather [hbm4b:s6+s2], $0x80, v3, vm0, $0xb8;
	[tilespmem:$0x18100] =	vst v63  }
0x29b: {  	s16 =	simm.s32 $0x15900  }
0x29c: {  	[tilespmem:s16], [sflag:$0x3] =	stream.indirect_vreg.gather [hbm4b:s7+s2], $0x80, v3, vm0, $0xb8;
	[tilespmem:$0x18100] =	vst v63  }
0x29d: {  	s16 =	simm.s32 $0x16100  }
0x29e: {  	[tilespmem:s16], [sflag:$0x3] =	stream.indirect_vreg.gather [hbm4b:s8+s2], $0x80, v3, vm0, $0xb8;
	[tilespmem:$0x18100] =	vst v63  }
0x29f: {  	s16 =	simm.s32 $0x16900  }
0x2a0: {  	[tilespmem:s16], [sflag:$0x3] =	stream.indirect_vreg.gather [hbm4b:s9+s2], $0x80, v3, vm0, $0xb8;
	[tilespmem:$0x18100] =	vst v63  }
0x2a1: {  	s16 =	simm.s32 $0x17100  }
0x2a2: {  	[tilespmem:s16], [sflag:$0x3] =	stream.indirect_vreg.gather [hbm4b:s10+s2], $0x80, v3, vm0, $0xb8;
	[tilespmem:$0x18100] =	vst v63  }
0x2a3: {  	s16 =	simm.s32 $0x17900  }
0x2a4: {  	[tilespmem:s16], [sflag:$0x3] =	stream.indirect_vreg.gather [hbm4b:s11+s2], $0x80, v3, vm0, $0xb8;
	[tilespmem:$0x18100] =	vst v63  }
0x2a5: {  	_ =	swait.ge [sflag:s3], $0x8000  }
0x2a6: {  	[sflag:s3] =	ssyncset.done $0x0  }
0x2a7: {  	s14 =	simm.s32 $0x100;
	s16 =	rddreg [dreg:$0x10];
	[sflag:s3] =	ssyncadd.s32 $0xFFFF8000  }
0x2a8: {  	[hbm4b:s16+s2] =	stream.linear.scatter [tilespmem:s14], [sflag:$0x4], $0x8000, $0x38;
	[tilespmem:$0x18100] =	vst v63  }
0x2a9: {  	_ =	swait.ge [sflag:s13], $0x8000  }
0x2aa: {  	[sflag:s13] =	ssyncset.done $0x0  }
0x2ab: {  	[sflag:s13] =	ssyncadd.s32 $0xFFFF8000  }
0x2ac: {  	v3 =	vld [tilespmem:$0xF0];
	_ =	sdelay $0x4  }
0x2ad: {  	v63 =	vshll.u32 v3, $0x4  }
0x2ae: {  	v3 =	vand.u32 $0x7, v3;
	v4 =	vand.u32 $0xFFFFFF80, v63  }
0x2af: {  	v3 =	vor.u32 v3, v4  }
0x2b0: {  	v4 =	vperm.xlane v3, v0;
	_ =	sdelay $0x1  }
0x2b1: {  	v4 =	vadd.s32 v1, v4;
	_ =	sdelay $0x4  }
0x2b2: {  	[tilespmem:s14], [sflag:$0x1] =	stream.indirect_vreg.gather [hbm4b:s4+s2], $0x80, v4, vm0, $0xb8;
	[tilespmem:$0x18100] =	vst v63  }
0x2b3: {  	s20 =	simm.s32 $0x900  }
0x2b4: {  	[tilespmem:s20], [sflag:$0x1] =	stream.indirect_vreg.gather [hbm4b:s5+s2], $0x80, v4, vm0, $0xb8;
	[tilespmem:$0x18100] =	vst v63  }
0x2b5: {  	s20 =	simm.s32 $0x1100  }
0x2b6: {  	[tilespmem:s20], [sflag:$0x1] =	stream.indirect_vreg.gather [hbm4b:s6+s2], $0x80, v4, vm0, $0xb8;
	[tilespmem:$0x18100] =	vst v63  }
0x2b7: {  	s20 =	simm.s32 $0x1900  }
0x2b8: {  	[tilespmem:s20], [sflag:$0x1] =	stream.indirect_vreg.gather [hbm4b:s7+s2], $0x80, v4, vm0, $0xb8;
	[tilespmem:$0x18100] =	vst v63  }
0x2b9: {  	s18 =	simm.s32 $0x2100  }
0x2ba: {  	[tilespmem:s18], [sflag:$0x1] =	stream.indirect_vreg.gather [hbm4b:s8+s2], $0x80, v4, vm0, $0xb8;
	[tilespmem:$0x18100] =	vst v63  }
0x2bb: {  	s29 =	simm.s32 $0x2900;
	v3 =	vperm.xlane v3, v2  }
0x2bc: {  	[tilespmem:s29], [sflag:$0x1] =	stream.indirect_vreg.gather [hbm4b:s9+s2], $0x80, v4, vm0, $0xb8;
	[tilespmem:$0x18100] =	vst v63  }
0x2bd: {  	s17 =	simm.s32 $0x3100;
	v3 =	vadd.s32 v1, v3  }
0x2be: {  	[tilespmem:s17], [sflag:$0x1] =	stream.indirect_vreg.gather [hbm4b:s10+s2], $0x80, v4, vm0, $0xb8;
	[tilespmem:$0x18100] =	vst v63  }
0x2bf: {  	s19 =	simm.s32 $0x3900  }
0x2c0: {  	[tilespmem:s19], [sflag:$0x1] =	stream.indirect_vreg.gather [hbm4b:s11+s2], $0x80, v4, vm0, $0xb8;
	[tilespmem:$0x18100] =	vst v63  }
0x2c1: {  	s21 =	simm.s32 $0x4100  }
0x2c2: {  	[tilespmem:s21], [sflag:$0x1] =	stream.indirect_vreg.gather [hbm4b:s4+s2], $0x80, v3, vm0, $0xb8;
	[tilespmem:$0x18100] =	vst v63  }
0x2c3: {  	s22 =	simm.s32 $0x4900  }
0x2c4: {  	[tilespmem:s22], [sflag:$0x1] =	stream.indirect_vreg.gather [hbm4b:s5+s2], $0x80, v3, vm0, $0xb8;
	[tilespmem:$0x18100] =	vst v63  }
0x2c5: {  	s23 =	simm.s32 $0x5100  }
0x2c6: {  	[tilespmem:s23], [sflag:$0x1] =	stream.indirect_vreg.gather [hbm4b:s6+s2], $0x80, v3, vm0, $0xb8;
	[tilespmem:$0x18100] =	vst v63  }
0x2c7: {  	s24 =	simm.s32 $0x5900  }
0x2c8: {  	[tilespmem:s24], [sflag:$0x1] =	stream.indirect_vreg.gather [hbm4b:s7+s2], $0x80, v3, vm0, $0xb8;
	[tilespmem:$0x18100] =	vst v63  }
0x2c9: {  	s25 =	simm.s32 $0x6100  }
0x2ca: {  	[tilespmem:s25], [sflag:$0x1] =	stream.indirect_vreg.gather [hbm4b:s8+s2], $0x80, v3, vm0, $0xb8;
	[tilespmem:$0x18100] =	vst v63  }
0x2cb: {  	s26 =	simm.s32 $0x6900  }
0x2cc: {  	[tilespmem:s26], [sflag:$0x1] =	stream.indirect_vreg.gather [hbm4b:s9+s2], $0x80, v3, vm0, $0xb8;
	[tilespmem:$0x18100] =	vst v63  }
0x2cd: {  	s28 =	simm.s32 $0x7100  }
0x2ce: {  	[tilespmem:s28], [sflag:$0x1] =	stream.indirect_vreg.gather [hbm4b:s10+s2], $0x80, v3, vm0, $0xb8;
	[tilespmem:$0x18100] =	vst v63  }
0x2cf: {  	s30 =	simm.s32 $0x7900  }
0x2d0: {  	[tilespmem:s30], [sflag:$0x1] =	stream.indirect_vreg.gather [hbm4b:s11+s2], $0x80, v3, vm0, $0xb8;
	[tilespmem:$0x18100] =	vst v63  }
0x2d1: {  	_ =	swait.ge [sflag:s1], $0x8000  }
0x2d2: {  	[sflag:s1] =	ssyncset.done $0x0  }
0x2d3: {  	s31 =	simm.s32 $0x8100;
	s29 =	rddreg [dreg:$0x11];
	[sflag:s1] =	ssyncadd.s32 $0xFFFF8000  }
0x2d4: {  	[hbm4b:s29+s2] =	stream.linear.scatter [tilespmem:s31], [sflag:$0x4], $0x8000, $0x38;
	[tilespmem:$0x18100] =	vst v63  }
0x2d5: {  	_ =	swait.ge [sflag:s13], $0x8000  }
0x2d6: {  	[sflag:s13] =	ssyncset.done $0x0  }
0x2d7: {  	[sflag:s13] =	ssyncadd.s32 $0xFFFF8000  }
0x2d8: {  	_ =	swait.ge [sflag:s15], $0x8000  }
0x2d9: {  	[sflag:s15] =	ssyncset.done $0x0  }
0x2da: {  	s0 =	simm.s32 $0x10100;
	s30 =	rddreg [dreg:$0x12];
	[sflag:s15] =	ssyncadd.s32 $0xFFFF8000  }
0x2db: {  	[hbm4b:s30+s2] =	stream.linear.scatter [tilespmem:s0], [sflag:$0x4], $0x8000, $0x38;
	[tilespmem:$0x18100] =	vst v63  }
0x2dc: {  	_ =	swait.ge [sflag:s13], $0x8000  }
0x2dd: {  	[sflag:s13] =	ssyncset.done $0x0  }
0x2de: {  	[sflag:s13] =	ssyncadd.s32 $0xFFFF8000  }
0x2df: {  	_ =	swait.ge [sflag:s3], $0x8000  }
0x2e0: {  	p0 =	sne.s32 s12, $0x1;
	[sflag:s3] =	ssyncset.done $0x0  }
.Ltmp0:
0x2e1: {  	s31 =	rddreg [dreg:$0x13];
	[sflag:s3] =	ssyncadd.s32 $0xFFFF8000;
	(pc) =	sbr.rel @p0 .LBB2_1-.Ltmp0, $4  }
0x2e2: {  	[hbm4b:s31+s2] =	stream.linear.scatter [tilespmem:s14], [sflag:$0x4], $0x8000, $0x38;
	[tilespmem:$0x18100] =	vst v63  }
0x2e3: {  	_ =	swait.ge [sflag:s13], $0x8000  }
0x2e4: {  	[sflag:s13] =	ssyncset.done $0x0  }
0x2e5: {  	s12 =	sadd.s32 $0xFFFFFFFF, s12;
	[sflag:s13] =	ssyncadd.s32 $0xFFFF8000  }
0x2e6: {  	_ =	sfence.sel $0x180000  }
0x2e7: {  	[bflag:$0x0] =	sbarrier.arrive $0xFFFF  }
0x2e8: {  	_ =	strace $0x90000047  }
0x2e9: {  	s0 =	stileid.u32;
	[bflag:$0x2] =	sbarrier.arrive $0xFFFF  }
0x2ea: {  	p0 =	sne.s32 s0, $0x0;
	s0 =	rddreg [dreg:$0x3]  }
0x2eb: {  	s0 =	sadd.s32 @!p0 $0x100000, s0  }
0x2ec: {  	[sflag:s0] =	ssyncadd.tile.s32 @!p0 $0x1;
	_ =	shalt  }
.Lfunc_end2:
_tile_overlayer_lowered:
.L_overlay_start_2:
0x2ed: {  	(tag) =	ssettag $0x2  }
0x2ee: {  	s0 =	rddreg [dreg:$0x0];
	s2 =	stileid.u32  }
0x2ef: {  	s1 =	rddreg [dreg:$0x1];
	p0 =	sne.s32 s2, $0x0  }
0x2f0: {  	s3 =	rddreg [dreg:$0x2];
	[bflag:$0x3] =	sbarrier.arrive $0xFFFF;
	s2 =	simm.s32 @!p0 $0x1C04  }
0x2f1: {  	[timem:s3], [sflag:s2] =	dma.local @!p0 [hbm:s0], s1  }
0x2f2: {  	s0 =	simm.s32 @!p0 $0x4  }
0x2f3: {  	_ =	swait.ge @!p0 [sflag:s0], s1  }
0x2f4: {  	s1 =	ssub.s32 @!p0 $0x0, s1;
	[sflag:s0] =	ssyncset.done @!p0 $0x0  }
0x2f5: {  	[sflag:s0] =	ssyncadd.s32 @!p0 s1  }
0x2f6: {  	[bflag:$0x3] =	sbarrier.arrive $0xFFFF  }
0x2f7: {  	_ =	shalt  }

</sc_bundles>
